<compile_context>
chip_gen: v7x
topology: tpu7x:2x2x1
jax: 0.10.2.dev20260603
libtpu: 0.0.44.dev20260713+nightly
codegen_flags: <defaults>
</compile_context>

<pallas_src>
import functools

import jax
import jax.numpy as jnp
from jax import lax
from jax.experimental import pallas as pl
from jax.experimental.pallas import tpu as pltpu
from jax.experimental.pallas import tpu_sc as plsc

NUM_E = 64
N_TOK = 8192
D = 768
TM = 256
NBP = N_TOK // TM + NUM_E
M_PAD = NBP * TM

NC = 2
NS = 16
NW = NC * NS
ROWS_W = N_TOK // NW
CHUNK = 64
NCHUNK = ROWS_W // CHUNK


def _sc_mesh():
    return plsc.VectorSubcoreMesh(
        core_axis_name="c", subcore_axis_name="s",
        num_cores=NC, num_subcores=NS)


@functools.cache
def _dispatch_kernel():
    @functools.partial(
        pl.kernel,
        out_type=jax.ShapeDtypeStruct((M_PAD, D), jnp.float32),
        mesh=_sc_mesh(),
        scratch_types=[
            pltpu.VMEM((NCHUNK, CHUNK), jnp.int32),
            pltpu.VMEM((CHUNK, D), jnp.float32),
            pltpu.VMEM((CHUNK, D), jnp.float32),
            pltpu.SemaphoreType.DMA,
            pltpu.SemaphoreType.DMA,
            pltpu.SemaphoreType.DMA,
            pltpu.SemaphoreType.DMA,
        ],
    )
    def _dispatch_k(h_hbm, pp3_hbm, xs_hbm,
                    pp2, rows0, rows1, si0, si1, ss0, ss1):
        wid = lax.axis_index("s") * NC + lax.axis_index("c")
        base = wid * ROWS_W
        rows = (rows0, rows1)
        sin = (si0, si1)
        ssc = (ss0, ss1)
        pltpu.sync_copy(pp3_hbm.at[wid], pp2)

        def src(c):
            return h_hbm.at[pl.ds(base + c * CHUNK, CHUNK)]

        pltpu.async_copy(src(0), rows0, si0)
        pltpu.async_copy(src(1), rows1, si1)
        for c in range(NCHUNK):
            p = c % 2
            pltpu.make_async_copy(src(c), rows[p], sin[p]).wait()
            cp = pltpu.async_copy(rows[p], xs_hbm.at[pp2.at[c]], ssc[p])
            cp.wait()
            if c + 2 < NCHUNK:
                pltpu.async_copy(src(c + 2), rows[p], sin[p])

    return _dispatch_k


@functools.cache
def _undispatch_kernel():
    @functools.partial(
        pl.kernel,
        out_type=jax.ShapeDtypeStruct((N_TOK, D), jnp.float32),
        mesh=_sc_mesh(),
        scratch_types=[
            pltpu.VMEM((NCHUNK, CHUNK), jnp.int32),
            pltpu.VMEM((CHUNK, D), jnp.float32),
            pltpu.VMEM((CHUNK, D), jnp.float32),
            pltpu.SemaphoreType.DMA,
            pltpu.SemaphoreType.DMA,
            pltpu.SemaphoreType.DMA,
            pltpu.SemaphoreType.DMA,
        ],
    )
    def _undispatch_k(y_hbm, pp3_hbm, out_hbm,
                      pp2, rows0, rows1, sg0, sg1, sw0, sw1):
        wid = lax.axis_index("s") * NC + lax.axis_index("c")
        base = wid * ROWS_W
        rows = (rows0, rows1)
        sga = (sg0, sg1)
        swr = (sw0, sw1)
        pltpu.sync_copy(pp3_hbm.at[wid], pp2)
        pltpu.async_copy(y_hbm.at[pp2.at[0]], rows0, sg0)
        pltpu.async_copy(y_hbm.at[pp2.at[1]], rows1, sg1)
        for c in range(NCHUNK):
            p = c % 2
            pltpu.make_async_copy(y_hbm.at[pp2.at[c]], rows[p], sga[p]).wait()
            cp = pltpu.async_copy(rows[p], out_hbm.at[pl.ds(base + c * CHUNK, CHUNK)], swr[p])
            cp.wait()
            if c + 2 < NCHUNK:
                pltpu.async_copy(y_hbm.at[pp2.at[c + 2]], rows[p], sga[p])

    return _undispatch_k


def _mm_body(bexp_r, bxi_r, bxo_r, bval_r, x_r, w_r, b_r, rw_r, o_r):
    i = pl.program_id(0)

    @pl.when(bval_r[i] == 1)
    def _():
        acc = jnp.dot(x_r[...].astype(jnp.bfloat16),
                      w_r[0].astype(jnp.bfloat16),
                      preferred_element_type=jnp.float32)
        o_r[...] = (acc + b_r[0, 0]) * rw_r[...][:, :1]


def _grouped_matmul(xs_pad, W, b3, rw_pad, bexp, bxi, bxo, bval):
    grid_spec = pltpu.PrefetchScalarGridSpec(
        num_scalar_prefetch=4,
        grid=(NBP,),
        in_specs=[
            pl.BlockSpec((TM, D), lambda i, be, bx, bo, bv: (bx[i], 0)),
            pl.BlockSpec((1, D, D), lambda i, be, bx, bo, bv: (be[i], 0, 0)),
            pl.BlockSpec((1, 1, D), lambda i, be, bx, bo, bv: (be[i], 0, 0)),
            pl.BlockSpec((TM, 2), lambda i, be, bx, bo, bv: (bx[i], 0)),
        ],
        out_specs=pl.BlockSpec((TM, D), lambda i, be, bx, bo, bv: (bo[i], 0)),
    )
    return pl.pallas_call(
        _mm_body,
        grid_spec=grid_spec,
        out_shape=jax.ShapeDtypeStruct((M_PAD, D), jnp.float32),
        compiler_params=pltpu.CompilerParams(
            dimension_semantics=("parallel",)),
    )(bexp, bxi, bxo, bval, xs_pad, W, b3, rw_pad)


def _tables(primary):
    oh = (primary[:, None] == jnp.arange(NUM_E, dtype=jnp.int32)[None, :]
          ).astype(jnp.int16)
    run = jnp.cumsum(oh, axis=0)
    counts = run[-1].astype(jnp.int32)
    rank = jnp.sum(oh * run, axis=1).astype(jnp.int32) - 1
    nblk = (counts + TM - 1) // TM
    cum_nblk = jnp.cumsum(nblk)
    blk_off = cum_nblk - nblk
    used = cum_nblk[-1]
    base_blk = blk_off.astype(jnp.int16)
    pp = (jnp.sum(oh * base_blk[None, :], axis=1).astype(jnp.int32) * TM
          + rank)
    blocks = jnp.arange(NBP, dtype=jnp.int32)
    bexp_raw = jnp.searchsorted(cum_nblk, blocks, side="right").astype(jnp.int32)
    last = used - 1
    bval = (blocks < used).astype(jnp.int32)
    bexp = jnp.where(blocks < used, bexp_raw, bexp_raw[last]).astype(jnp.int32)
    bxi = jnp.where(blocks < used, blocks, last).astype(jnp.int32)
    bxo = jnp.where(blocks < used, blocks, NBP - 1).astype(jnp.int32)
    return pp, bexp, bxi, bxo, bval


def kernel(hidden_states, expert_indices, routing_weights, W, b):
    primary = expert_indices[:, 0].astype(jnp.int32)
    pp, bexp, bxi, bxo, bval = _tables(primary)
    pp3 = pp.reshape(NW, NCHUNK, CHUNK)
    xs_pad = _dispatch_kernel()(hidden_states, pp3)
    rw_pad = jnp.zeros((M_PAD, 2), jnp.float32).at[pp].set(routing_weights)
    y = _grouped_matmul(xs_pad, W, b[:, None, :], rw_pad, bexp, bxi, bxo, bval)
    return _undispatch_kernel()(y, pp3)

# --- scband reference (transcript-rebuilt; emitter-appended) ---
"""Pipeline reference for scband-sorted-expert-dispatch-17935783428798 (READ-ONLY COPY).

The authoritative reference and input builder live on the scoring server;
editing this copy changes nothing except your own understanding.
"""

import jax, jax.numpy as jnp
import numpy as np

NUM_EXPERTS = 64
TOP_K = 2
N_TOKENS = 8192
D_MODEL = 768


def setup_inputs(seed: int = 0) -> dict:
    key = jax.random.key(seed)
    k1, k2, k3, k4, k5 = jax.random.split(key, 5)
    hidden_states = jax.random.normal(k1, (N_TOKENS, D_MODEL), dtype=jnp.float32)
    expert_indices = jax.random.randint(k2, (N_TOKENS, TOP_K), 0, NUM_EXPERTS)
    routing_weights = jax.random.uniform(k3, (N_TOKENS, TOP_K), dtype=jnp.float32)
    routing_weights = routing_weights / jnp.sum(routing_weights, axis=-1, keepdims=True)
    # Expert parameters: each expert is a linear layer d_model -> d_model
    W = jax.random.normal(k4, (NUM_EXPERTS, D_MODEL, D_MODEL), dtype=jnp.float32) * (1.0 / np.sqrt(D_MODEL))
    b = jax.random.normal(k5, (NUM_EXPERTS, D_MODEL), dtype=jnp.float32) * 0.01
    return {
        "hidden_states": hidden_states,
        "expert_indices": expert_indices,
        "routing_weights": routing_weights,
        "W": W,
        "b": b,
    }


def reference(hidden_states, expert_indices, routing_weights, W, b):
    E = W.shape[0]
    top_k = expert_indices.shape[1]
    # --- dispatch: stable sort tokens by primary expert ---
    primary = expert_indices[:, 0]
    sorted_idx = jnp.argsort(primary, stable=True)
    inverse_idx = jnp.argsort(sorted_idx, stable=True)
    sorted_states = jnp.take(hidden_states, sorted_idx, axis=0)
    sorted_primary = jnp.take(primary, sorted_idx, axis=0)
    # --- per-expert compute with fixed-shape masked selection ---
    sorted_output = jnp.zeros_like(hidden_states)
    for eid in range(E):
        expert_out = sorted_states @ W[eid] + b[eid]
        mask = (sorted_primary == eid)[:, None]
        sorted_output = jnp.where(mask, expert_out, sorted_output)
    # --- unsort back to original token order ---
    combined = jnp.take(sorted_output, inverse_idx, axis=0)
    # --- weight by primary routing weight when top_k > 1 ---
    if top_k > 1:
        combined = combined * routing_weights[:, 0:1]
    return combined

if __name__ == "__main__":
    import jax
    _d = setup_inputs()
    print(jax.jit(kernel)(*tuple(_d.values())))

</pallas_src>

<mosaic_0001>
#map = affine_map<(d0, d1) -> (0, 0)>
#map1 = affine_map<(d0, d1) -> (0, 0, 0)>
module attributes {stable_mosaic.version = 14 : i64} {
  func.func @_dispatch_k(%arg0: i32, %arg1: i32, %arg2: memref<8192x768xf32, #tpu.memory_space<hbm>>, %arg3: memref<32x4x64xi32, #tpu.memory_space<hbm>>, %arg4: memref<24576x768xf32, #tpu.memory_space<hbm>>, %arg5: memref<4x64xi32, #tpu.memory_space<vmem>>, %arg6: memref<64x768xf32, #tpu.memory_space<vmem>>, %arg7: memref<64x768xf32, #tpu.memory_space<vmem>>, %arg8: memref<!tpu.dma_semaphore, #tpu.memory_space<semaphore_mem>>, %arg9: memref<!tpu.dma_semaphore, #tpu.memory_space<semaphore_mem>>, %arg10: memref<!tpu.dma_semaphore, #tpu.memory_space<semaphore_mem>>, %arg11: memref<!tpu.dma_semaphore, #tpu.memory_space<semaphore_mem>>) attributes {dimension_semantics = [#tpu.dimension_semantics<core_parallel>, #tpu.dimension_semantics<subcore_parallel>], iteration_bounds = array<i64: 2, 16>, scalar_prefetch = 0 : i64, scratch_operands = 7 : i64, tpu.core_type = #tpu.core_type<sc_vector_subcore>, window_params = [{transform_indices = #map}, {transform_indices = #map1}, {transform_indices = #map}]} {
    %mul3A = arith.constant 2 : i32
    %mul3A_0 = arith.muli %arg1, %mul3A : i32
    %add3A = arith.addi %mul3A_0, %arg0 : i32
    %mul3A_1 = arith.constant 256 : i32
    %mul3A_2 = arith.muli %add3A, %mul3A_1 : i32
    "tpu.region"() ({
      %run_scoped3A = tpu.sem_alloc : memref<!tpu.dma_semaphore, #tpu.memory_space<semaphore_mem>>
      %dma_start3A_105 = arith.constant 0 : i32
      %dma_start3A_106 = arith.constant 0 : i32
      %dma_start3A_107 = tpu.memref_slice %arg3[%add3A, %dma_start3A_105, %dma_start3A_106] : memref<32x4x64xi32, #tpu.memory_space<hbm>> -> memref<1x4x64xi32, #tpu.memory_space<hbm>>
      %dma_start3A_108 = tpu.memref_squeeze %dma_start3A_107 : memref<1x4x64xi32, #tpu.memory_space<hbm>> -> memref<4x64xi32, #tpu.memory_space<hbm>>
      %dma_start3A_109 = arith.constant 0 : i32
      %dma_start3A_110 = arith.constant 0 : i32
      %dma_start3A_111 = tpu.memref_slice %arg3[%add3A, %dma_start3A_109, %dma_start3A_110] : memref<32x4x64xi32, #tpu.memory_space<hbm>> -> memref<1x4x64xi32, #tpu.memory_space<hbm>>
      %dma_start3A_112 = tpu.memref_squeeze %dma_start3A_111 : memref<1x4x64xi32, #tpu.memory_space<hbm>> -> memref<4x64xi32, #tpu.memory_space<hbm>>
      tpu.enqueue_dma source(%dma_start3A_112 : memref<4x64xi32, #tpu.memory_space<hbm>>) target(%arg5 : memref<4x64xi32, #tpu.memory_space<vmem>>) target_semaphore(%run_scoped3A : memref<!tpu.dma_semaphore, #tpu.memory_space<semaphore_mem>>)
      %dma_wait3A_113 = arith.constant 0 : i32
      %dma_wait3A_114 = arith.constant 0 : i32
      %dma_wait3A_115 = tpu.memref_slice %arg3[%add3A, %dma_wait3A_113, %dma_wait3A_114] : memref<32x4x64xi32, #tpu.memory_space<hbm>> -> memref<1x4x64xi32, #tpu.memory_space<hbm>>
      %dma_wait3A_116 = tpu.memref_squeeze %dma_wait3A_115 : memref<1x4x64xi32, #tpu.memory_space<hbm>> -> memref<4x64xi32, #tpu.memory_space<hbm>>
      %dma_wait3A_117 = arith.constant 0 : i32
      %dma_wait3A_118 = arith.constant 0 : i32
      %dma_wait3A_119 = tpu.memref_slice %arg3[%add3A, %dma_wait3A_117, %dma_wait3A_118] : memref<32x4x64xi32, #tpu.memory_space<hbm>> -> memref<1x4x64xi32, #tpu.memory_space<hbm>>
      %dma_wait3A_120 = tpu.memref_squeeze %dma_wait3A_119 : memref<1x4x64xi32, #tpu.memory_space<hbm>> -> memref<4x64xi32, #tpu.memory_space<hbm>>
      tpu.wait_dma2 semaphore(%run_scoped3A : memref<!tpu.dma_semaphore, #tpu.memory_space<semaphore_mem>>) src(%dma_wait3A_120 : memref<4x64xi32, #tpu.memory_space<hbm>>) dst(%arg5 : memref<4x64xi32, #tpu.memory_space<vmem>>)
      tpu.yield
    }) : () -> ()
    %add3A_3 = arith.constant 0 : i32
    %add3A_4 = arith.addi %mul3A_2, %add3A_3 : i32
    %dma_start3A = arith.constant 0 : i32
    %dma_start3A_5 = tpu.memref_slice %arg2[%add3A_4, %dma_start3A] : memref<8192x768xf32, #tpu.memory_space<hbm>> -> memref<64x768xf32, #tpu.memory_space<hbm>>
    %dma_start3A_6 = arith.constant 0 : i32
    %dma_start3A_7 = tpu.memref_slice %arg2[%add3A_4, %dma_start3A_6] : memref<8192x768xf32, #tpu.memory_space<hbm>> -> memref<64x768xf32, #tpu.memory_space<hbm>>
    tpu.enqueue_dma source(%dma_start3A_7 : memref<64x768xf32, #tpu.memory_space<hbm>>) target(%arg6 : memref<64x768xf32, #tpu.memory_space<vmem>>) target_semaphore(%arg8 : memref<!tpu.dma_semaphore, #tpu.memory_space<semaphore_mem>>)
    %add3A_8 = arith.constant 64 : i32
    %add3A_9 = arith.addi %mul3A_2, %add3A_8 : i32
    %dma_start3A_10 = arith.constant 0 : i32
    %dma_start3A_11 = tpu.memref_slice %arg2[%add3A_9, %dma_start3A_10] : memref<8192x768xf32, #tpu.memory_space<hbm>> -> memref<64x768xf32, #tpu.memory_space<hbm>>
    %dma_start3A_12 = arith.constant 0 : i32
    %dma_start3A_13 = tpu.memref_slice %arg2[%add3A_9, %dma_start3A_12] : memref<8192x768xf32, #tpu.memory_space<hbm>> -> memref<64x768xf32, #tpu.memory_space<hbm>>
    tpu.enqueue_dma source(%dma_start3A_13 : memref<64x768xf32, #tpu.memory_space<hbm>>) target(%arg7 : memref<64x768xf32, #tpu.memory_space<vmem>>) target_semaphore(%arg9 : memref<!tpu.dma_semaphore, #tpu.memory_space<semaphore_mem>>)
    %add3A_14 = arith.constant 0 : i32
    %add3A_15 = arith.addi %mul3A_2, %add3A_14 : i32
    %dma_wait3A = arith.constant 0 : i32
    %dma_wait3A_16 = tpu.memref_slice %arg2[%add3A_15, %dma_wait3A] : memref<8192x768xf32, #tpu.memory_space<hbm>> -> memref<64x768xf32, #tpu.memory_space<hbm>>
    %dma_wait3A_17 = arith.constant 0 : i32
    %dma_wait3A_18 = tpu.memref_slice %arg2[%add3A_15, %dma_wait3A_17] : memref<8192x768xf32, #tpu.memory_space<hbm>> -> memref<64x768xf32, #tpu.memory_space<hbm>>
    tpu.wait_dma2 semaphore(%arg8 : memref<!tpu.dma_semaphore, #tpu.memory_space<semaphore_mem>>) src(%dma_wait3A_18 : memref<64x768xf32, #tpu.memory_space<hbm>>) dst(%arg6 : memref<64x768xf32, #tpu.memory_space<vmem>>)
    %dma_start3A_19 = arith.constant 0 : i32
    %dma_start3A_20 = arith.constant 0 : i32
    %dma_start3A_21 = tpu.memref_slice %arg5[%dma_start3A_19, %dma_start3A_20] : memref<4x64xi32, #tpu.memory_space<vmem>> -> memref<1x64xi32, #tpu.memory_space<vmem>>
    %dma_start3A_22 = tpu.memref_squeeze %dma_start3A_21 : memref<1x64xi32, #tpu.memory_space<vmem>> -> memref<64xi32, #tpu.memory_space<vmem>>
    %dma_start3A_23 = arith.constant 0 : i32
    %dma_start3A_24 = arith.constant 0 : i32
    %dma_start3A_25 = tpu.memref_slice %arg4[%dma_start3A_23, %dma_start3A_24] : memref<24576x768xf32, #tpu.memory_space<hbm>> -> memref<24576x768xf32, #tpu.memory_space<hbm>>
    tpu.enqueue_indirect_dma source(%arg6 : memref<64x768xf32, #tpu.memory_space<vmem>>) target(%dma_start3A_25 : memref<24576x768xf32, #tpu.memory_space<hbm>>) offsets(%dma_start3A_22 : memref<64xi32, #tpu.memory_space<vmem>>) semaphore(%arg10 : memref<!tpu.dma_semaphore, #tpu.memory_space<semaphore_mem>>)
    %dma_wait3A_26 = arith.constant 0 : i32
    %dma_wait3A_27 = arith.constant 0 : i32
    %dma_wait3A_28 = tpu.memref_slice %arg5[%dma_wait3A_26, %dma_wait3A_27] : memref<4x64xi32, #tpu.memory_space<vmem>> -> memref<1x64xi32, #tpu.memory_space<vmem>>
    %dma_wait3A_29 = tpu.memref_squeeze %dma_wait3A_28 : memref<1x64xi32, #tpu.memory_space<vmem>> -> memref<64xi32, #tpu.memory_space<vmem>>
    %dma_wait3A_30 = arith.constant 0 : i32
    %dma_wait3A_31 = arith.constant 0 : i32
    %dma_wait3A_32 = tpu.memref_slice %arg4[%dma_wait3A_30, %dma_wait3A_31] : memref<24576x768xf32, #tpu.memory_space<hbm>> -> memref<24576x768xf32, #tpu.memory_space<hbm>>
    tpu.wait_indirect_dma semaphore(%arg10 : memref<!tpu.dma_semaphore, #tpu.memory_space<semaphore_mem>>) src(%arg6 : memref<64x768xf32, #tpu.memory_space<vmem>>) dst(%dma_wait3A_32 : memref<24576x768xf32, #tpu.memory_space<hbm>>)
    %add3A_33 = arith.constant 128 : i32
    %add3A_34 = arith.addi %mul3A_2, %add3A_33 : i32
    %dma_start3A_35 = arith.constant 0 : i32
    %dma_start3A_36 = tpu.memref_slice %arg2[%add3A_34, %dma_start3A_35] : memref<8192x768xf32, #tpu.memory_space<hbm>> -> memref<64x768xf32, #tpu.memory_space<hbm>>
    %dma_start3A_37 = arith.constant 0 : i32
    %dma_start3A_38 = tpu.memref_slice %arg2[%add3A_34, %dma_start3A_37] : memref<8192x768xf32, #tpu.memory_space<hbm>> -> memref<64x768xf32, #tpu.memory_space<hbm>>
    tpu.enqueue_dma source(%dma_start3A_38 : memref<64x768xf32, #tpu.memory_space<hbm>>) target(%arg6 : memref<64x768xf32, #tpu.memory_space<vmem>>) target_semaphore(%arg8 : memref<!tpu.dma_semaphore, #tpu.memory_space<semaphore_mem>>)
    %add3A_39 = arith.constant 64 : i32
    %add3A_40 = arith.addi %mul3A_2, %add3A_39 : i32
    %dma_wait3A_41 = arith.constant 0 : i32
    %dma_wait3A_42 = tpu.memref_slice %arg2[%add3A_40, %dma_wait3A_41] : memref<8192x768xf32, #tpu.memory_space<hbm>> -> memref<64x768xf32, #tpu.memory_space<hbm>>
    %dma_wait3A_43 = arith.constant 0 : i32
    %dma_wait3A_44 = tpu.memref_slice %arg2[%add3A_40, %dma_wait3A_43] : memref<8192x768xf32, #tpu.memory_space<hbm>> -> memref<64x768xf32, #tpu.memory_space<hbm>>
    tpu.wait_dma2 semaphore(%arg9 : memref<!tpu.dma_semaphore, #tpu.memory_space<semaphore_mem>>) src(%dma_wait3A_44 : memref<64x768xf32, #tpu.memory_space<hbm>>) dst(%arg7 : memref<64x768xf32, #tpu.memory_space<vmem>>)
    %dma_start3A_45 = arith.constant 1 : i32
    %dma_start3A_46 = arith.constant 0 : i32
    %dma_start3A_47 = tpu.memref_slice %arg5[%dma_start3A_45, %dma_start3A_46] : memref<4x64xi32, #tpu.memory_space<vmem>> -> memref<1x64xi32, #tpu.memory_space<vmem>>
    %dma_start3A_48 = tpu.memref_squeeze %dma_start3A_47 : memref<1x64xi32, #tpu.memory_space<vmem>> -> memref<64xi32, #tpu.memory_space<vmem>>
    %dma_start3A_49 = arith.constant 0 : i32
    %dma_start3A_50 = arith.constant 0 : i32
    %dma_start3A_51 = tpu.memref_slice %arg4[%dma_start3A_49, %dma_start3A_50] : memref<24576x768xf32, #tpu.memory_space<hbm>> -> memref<24576x768xf32, #tpu.memory_space<hbm>>
    tpu.enqueue_indirect_dma source(%arg7 : memref<64x768xf32, #tpu.memory_space<vmem>>) target(%dma_start3A_51 : memref<24576x768xf32, #tpu.memory_space<hbm>>) offsets(%dma_start3A_48 : memref<64xi32, #tpu.memory_space<vmem>>) semaphore(%arg11 : memref<!tpu.dma_semaphore, #tpu.memory_space<semaphore_mem>>)
    %dma_wait3A_52 = arith.constant 1 : i32
    %dma_wait3A_53 = arith.constant 0 : i32
    %dma_wait3A_54 = tpu.memref_slice %arg5[%dma_wait3A_52, %dma_wait3A_53] : memref<4x64xi32, #tpu.memory_space<vmem>> -> memref<1x64xi32, #tpu.memory_space<vmem>>
    %dma_wait3A_55 = tpu.memref_squeeze %dma_wait3A_54 : memref<1x64xi32, #tpu.memory_space<vmem>> -> memref<64xi32, #tpu.memory_space<vmem>>
    %dma_wait3A_56 = arith.constant 0 : i32
    %dma_wait3A_57 = arith.constant 0 : i32
    %dma_wait3A_58 = tpu.memref_slice %arg4[%dma_wait3A_56, %dma_wait3A_57] : memref<24576x768xf32, #tpu.memory_space<hbm>> -> memref<24576x768xf32, #tpu.memory_space<hbm>>
    tpu.wait_indirect_dma semaphore(%arg11 : memref<!tpu.dma_semaphore, #tpu.memory_space<semaphore_mem>>) src(%arg7 : memref<64x768xf32, #tpu.memory_space<vmem>>) dst(%dma_wait3A_58 : memref<24576x768xf32, #tpu.memory_space<hbm>>)
    %add3A_59 = arith.constant 192 : i32
    %add3A_60 = arith.addi %mul3A_2, %add3A_59 : i32
    %dma_start3A_61 = arith.constant 0 : i32
    %dma_start3A_62 = tpu.memref_slice %arg2[%add3A_60, %dma_start3A_61] : memref<8192x768xf32, #tpu.memory_space<hbm>> -> memref<64x768xf32, #tpu.memory_space<hbm>>
    %dma_start3A_63 = arith.constant 0 : i32
    %dma_start3A_64 = tpu.memref_slice %arg2[%add3A_60, %dma_start3A_63] : memref<8192x768xf32, #tpu.memory_space<hbm>> -> memref<64x768xf32, #tpu.memory_space<hbm>>
    tpu.enqueue_dma source(%dma_start3A_64 : memref<64x768xf32, #tpu.memory_space<hbm>>) target(%arg7 : memref<64x768xf32, #tpu.memory_space<vmem>>) target_semaphore(%arg9 : memref<!tpu.dma_semaphore, #tpu.memory_space<semaphore_mem>>)
    %add3A_65 = arith.constant 128 : i32
    %add3A_66 = arith.addi %mul3A_2, %add3A_65 : i32
    %dma_wait3A_67 = arith.constant 0 : i32
    %dma_wait3A_68 = tpu.memref_slice %arg2[%add3A_66, %dma_wait3A_67] : memref<8192x768xf32, #tpu.memory_space<hbm>> -> memref<64x768xf32, #tpu.memory_space<hbm>>
    %dma_wait3A_69 = arith.constant 0 : i32
    %dma_wait3A_70 = tpu.memref_slice %arg2[%add3A_66, %dma_wait3A_69] : memref<8192x768xf32, #tpu.memory_space<hbm>> -> memref<64x768xf32, #tpu.memory_space<hbm>>
    tpu.wait_dma2 semaphore(%arg8 : memref<!tpu.dma_semaphore, #tpu.memory_space<semaphore_mem>>) src(%dma_wait3A_70 : memref<64x768xf32, #tpu.memory_space<hbm>>) dst(%arg6 : memref<64x768xf32, #tpu.memory_space<vmem>>)
    %dma_start3A_71 = arith.constant 2 : i32
    %dma_start3A_72 = arith.constant 0 : i32
    %dma_start3A_73 = tpu.memref_slice %arg5[%dma_start3A_71, %dma_start3A_72] : memref<4x64xi32, #tpu.memory_space<vmem>> -> memref<1x64xi32, #tpu.memory_space<vmem>>
    %dma_start3A_74 = tpu.memref_squeeze %dma_start3A_73 : memref<1x64xi32, #tpu.memory_space<vmem>> -> memref<64xi32, #tpu.memory_space<vmem>>
    %dma_start3A_75 = arith.constant 0 : i32
    %dma_start3A_76 = arith.constant 0 : i32
    %dma_start3A_77 = tpu.memref_slice %arg4[%dma_start3A_75, %dma_start3A_76] : memref<24576x768xf32, #tpu.memory_space<hbm>> -> memref<24576x768xf32, #tpu.memory_space<hbm>>
    tpu.enqueue_indirect_dma source(%arg6 : memref<64x768xf32, #tpu.memory_space<vmem>>) target(%dma_start3A_77 : memref<24576x768xf32, #tpu.memory_space<hbm>>) offsets(%dma_start3A_74 : memref<64xi32, #tpu.memory_space<vmem>>) semaphore(%arg10 : memref<!tpu.dma_semaphore, #tpu.memory_space<semaphore_mem>>)
    %dma_wait3A_78 = arith.constant 2 : i32
    %dma_wait3A_79 = arith.constant 0 : i32
    %dma_wait3A_80 = tpu.memref_slice %arg5[%dma_wait3A_78, %dma_wait3A_79] : memref<4x64xi32, #tpu.memory_space<vmem>> -> memref<1x64xi32, #tpu.memory_space<vmem>>
    %dma_wait3A_81 = tpu.memref_squeeze %dma_wait3A_80 : memref<1x64xi32, #tpu.memory_space<vmem>> -> memref<64xi32, #tpu.memory_space<vmem>>
    %dma_wait3A_82 = arith.constant 0 : i32
    %dma_wait3A_83 = arith.constant 0 : i32
    %dma_wait3A_84 = tpu.memref_slice %arg4[%dma_wait3A_82, %dma_wait3A_83] : memref<24576x768xf32, #tpu.memory_space<hbm>> -> memref<24576x768xf32, #tpu.memory_space<hbm>>
    tpu.wait_indirect_dma semaphore(%arg10 : memref<!tpu.dma_semaphore, #tpu.memory_space<semaphore_mem>>) src(%arg6 : memref<64x768xf32, #tpu.memory_space<vmem>>) dst(%dma_wait3A_84 : memref<24576x768xf32, #tpu.memory_space<hbm>>)
    %add3A_85 = arith.constant 192 : i32
    %add3A_86 = arith.addi %mul3A_2, %add3A_85 : i32
    %dma_wait3A_87 = arith.constant 0 : i32
    %dma_wait3A_88 = tpu.memref_slice %arg2[%add3A_86, %dma_wait3A_87] : memref<8192x768xf32, #tpu.memory_space<hbm>> -> memref<64x768xf32, #tpu.memory_space<hbm>>
    %dma_wait3A_89 = arith.constant 0 : i32
    %dma_wait3A_90 = tpu.memref_slice %arg2[%add3A_86, %dma_wait3A_89] : memref<8192x768xf32, #tpu.memory_space<hbm>> -> memref<64x768xf32, #tpu.memory_space<hbm>>
    tpu.wait_dma2 semaphore(%arg9 : memref<!tpu.dma_semaphore, #tpu.memory_space<semaphore_mem>>) src(%dma_wait3A_90 : memref<64x768xf32, #tpu.memory_space<hbm>>) dst(%arg7 : memref<64x768xf32, #tpu.memory_space<vmem>>)
    %dma_start3A_91 = arith.constant 3 : i32
    %dma_start3A_92 = arith.constant 0 : i32
    %dma_start3A_93 = tpu.memref_slice %arg5[%dma_start3A_91, %dma_start3A_92] : memref<4x64xi32, #tpu.memory_space<vmem>> -> memref<1x64xi32, #tpu.memory_space<vmem>>
    %dma_start3A_94 = tpu.memref_squeeze %dma_start3A_93 : memref<1x64xi32, #tpu.memory_space<vmem>> -> memref<64xi32, #tpu.memory_space<vmem>>
    %dma_start3A_95 = arith.constant 0 : i32
    %dma_start3A_96 = arith.constant 0 : i32
    %dma_start3A_97 = tpu.memref_slice %arg4[%dma_start3A_95, %dma_start3A_96] : memref<24576x768xf32, #tpu.memory_space<hbm>> -> memref<24576x768xf32, #tpu.memory_space<hbm>>
    tpu.enqueue_indirect_dma source(%arg7 : memref<64x768xf32, #tpu.memory_space<vmem>>) target(%dma_start3A_97 : memref<24576x768xf32, #tpu.memory_space<hbm>>) offsets(%dma_start3A_94 : memref<64xi32, #tpu.memory_space<vmem>>) semaphore(%arg11 : memref<!tpu.dma_semaphore, #tpu.memory_space<semaphore_mem>>)
    %dma_wait3A_98 = arith.constant 3 : i32
    %dma_wait3A_99 = arith.constant 0 : i32
    %dma_wait3A_100 = tpu.memref_slice %arg5[%dma_wait3A_98, %dma_wait3A_99] : memref<4x64xi32, #tpu.memory_space<vmem>> -> memref<1x64xi32, #tpu.memory_space<vmem>>
    %dma_wait3A_101 = tpu.memref_squeeze %dma_wait3A_100 : memref<1x64xi32, #tpu.memory_space<vmem>> -> memref<64xi32, #tpu.memory_space<vmem>>
    %dma_wait3A_102 = arith.constant 0 : i32
    %dma_wait3A_103 = arith.constant 0 : i32
    %dma_wait3A_104 = tpu.memref_slice %arg4[%dma_wait3A_102, %dma_wait3A_103] : memref<24576x768xf32, #tpu.memory_space<hbm>> -> memref<24576x768xf32, #tpu.memory_space<hbm>>
    tpu.wait_indirect_dma semaphore(%arg11 : memref<!tpu.dma_semaphore, #tpu.memory_space<semaphore_mem>>) src(%arg7 : memref<64x768xf32, #tpu.memory_space<vmem>>) dst(%dma_wait3A_104 : memref<24576x768xf32, #tpu.memory_space<hbm>>)
    return
  }
}

#map = affine_map<(d0, d1) -> (0, 0)>
#map1 = affine_map<(d0, d1) -> (0, 0, 0)>
module attributes {stable_mosaic.version = 14 : i64} {
  func.func @_undispatch_k(%arg0: i32, %arg1: i32, %arg2: memref<24576x768xf32, #tpu.memory_space<hbm>>, %arg3: memref<32x4x64xi32, #tpu.memory_space<hbm>>, %arg4: memref<8192x768xf32, #tpu.memory_space<hbm>>, %arg5: memref<4x64xi32, #tpu.memory_space<vmem>>, %arg6: memref<64x768xf32, #tpu.memory_space<vmem>>, %arg7: memref<64x768xf32, #tpu.memory_space<vmem>>, %arg8: memref<!tpu.dma_semaphore, #tpu.memory_space<semaphore_mem>>, %arg9: memref<!tpu.dma_semaphore, #tpu.memory_space<semaphore_mem>>, %arg10: memref<!tpu.dma_semaphore, #tpu.memory_space<semaphore_mem>>, %arg11: memref<!tpu.dma_semaphore, #tpu.memory_space<semaphore_mem>>) attributes {dimension_semantics = [#tpu.dimension_semantics<core_parallel>, #tpu.dimension_semantics<subcore_parallel>], iteration_bounds = array<i64: 2, 16>, scalar_prefetch = 0 : i64, scratch_operands = 7 : i64, tpu.core_type = #tpu.core_type<sc_vector_subcore>, window_params = [{transform_indices = #map}, {transform_indices = #map1}, {transform_indices = #map}]} {
    %mul3A = arith.constant 2 : i32
    %mul3A_0 = arith.muli %arg1, %mul3A : i32
    %add3A = arith.addi %mul3A_0, %arg0 : i32
    %mul3A_1 = arith.constant 256 : i32
    %mul3A_2 = arith.muli %add3A, %mul3A_1 : i32
    "tpu.region"() ({
      %run_scoped3A = tpu.sem_alloc : memref<!tpu.dma_semaphore, #tpu.memory_space<semaphore_mem>>
      %dma_start3A_97 = arith.constant 0 : i32
      %dma_start3A_98 = arith.constant 0 : i32
      %dma_start3A_99 = tpu.memref_slice %arg3[%add3A, %dma_start3A_97, %dma_start3A_98] : memref<32x4x64xi32, #tpu.memory_space<hbm>> -> memref<1x4x64xi32, #tpu.memory_space<hbm>>
      %dma_start3A_100 = tpu.memref_squeeze %dma_start3A_99 : memref<1x4x64xi32, #tpu.memory_space<hbm>> -> memref<4x64xi32, #tpu.memory_space<hbm>>
      %dma_start3A_101 = arith.constant 0 : i32
      %dma_start3A_102 = arith.constant 0 : i32
      %dma_start3A_103 = tpu.memref_slice %arg3[%add3A, %dma_start3A_101, %dma_start3A_102] : memref<32x4x64xi32, #tpu.memory_space<hbm>> -> memref<1x4x64xi32, #tpu.memory_space<hbm>>
      %dma_start3A_104 = tpu.memref_squeeze %dma_start3A_103 : memref<1x4x64xi32, #tpu.memory_space<hbm>> -> memref<4x64xi32, #tpu.memory_space<hbm>>
      tpu.enqueue_dma source(%dma_start3A_104 : memref<4x64xi32, #tpu.memory_space<hbm>>) target(%arg5 : memref<4x64xi32, #tpu.memory_space<vmem>>) target_semaphore(%run_scoped3A : memref<!tpu.dma_semaphore, #tpu.memory_space<semaphore_mem>>)
      %dma_wait3A_105 = arith.constant 0 : i32
      %dma_wait3A_106 = arith.constant 0 : i32
      %dma_wait3A_107 = tpu.memref_slice %arg3[%add3A, %dma_wait3A_105, %dma_wait3A_106] : memref<32x4x64xi32, #tpu.memory_space<hbm>> -> memref<1x4x64xi32, #tpu.memory_space<hbm>>
      %dma_wait3A_108 = tpu.memref_squeeze %dma_wait3A_107 : memref<1x4x64xi32, #tpu.memory_space<hbm>> -> memref<4x64xi32, #tpu.memory_space<hbm>>
      %dma_wait3A_109 = arith.constant 0 : i32
      %dma_wait3A_110 = arith.constant 0 : i32
      %dma_wait3A_111 = tpu.memref_slice %arg3[%add3A, %dma_wait3A_109, %dma_wait3A_110] : memref<32x4x64xi32, #tpu.memory_space<hbm>> -> memref<1x4x64xi32, #tpu.memory_space<hbm>>
      %dma_wait3A_112 = tpu.memref_squeeze %dma_wait3A_111 : memref<1x4x64xi32, #tpu.memory_space<hbm>> -> memref<4x64xi32, #tpu.memory_space<hbm>>
      tpu.wait_dma2 semaphore(%run_scoped3A : memref<!tpu.dma_semaphore, #tpu.memory_space<semaphore_mem>>) src(%dma_wait3A_112 : memref<4x64xi32, #tpu.memory_space<hbm>>) dst(%arg5 : memref<4x64xi32, #tpu.memory_space<vmem>>)
      tpu.yield
    }) : () -> ()
    %dma_start3A = arith.constant 0 : i32
    %dma_start3A_3 = arith.constant 0 : i32
    %dma_start3A_4 = tpu.memref_slice %arg5[%dma_start3A, %dma_start3A_3] : memref<4x64xi32, #tpu.memory_space<vmem>> -> memref<1x64xi32, #tpu.memory_space<vmem>>
    %dma_start3A_5 = tpu.memref_squeeze %dma_start3A_4 : memref<1x64xi32, #tpu.memory_space<vmem>> -> memref<64xi32, #tpu.memory_space<vmem>>
    %dma_start3A_6 = arith.constant 0 : i32
    %dma_start3A_7 = arith.constant 0 : i32
    %dma_start3A_8 = tpu.memref_slice %arg2[%dma_start3A_6, %dma_start3A_7] : memref<24576x768xf32, #tpu.memory_space<hbm>> -> memref<24576x768xf32, #tpu.memory_space<hbm>>
    tpu.enqueue_indirect_dma source(%dma_start3A_8 : memref<24576x768xf32, #tpu.memory_space<hbm>>) target(%arg6 : memref<64x768xf32, #tpu.memory_space<vmem>>) offsets(%dma_start3A_5 : memref<64xi32, #tpu.memory_space<vmem>>) semaphore(%arg8 : memref<!tpu.dma_semaphore, #tpu.memory_space<semaphore_mem>>)
    %dma_start3A_9 = arith.constant 1 : i32
    %dma_start3A_10 = arith.constant 0 : i32
    %dma_start3A_11 = tpu.memref_slice %arg5[%dma_start3A_9, %dma_start3A_10] : memref<4x64xi32, #tpu.memory_space<vmem>> -> memref<1x64xi32, #tpu.memory_space<vmem>>
    %dma_start3A_12 = tpu.memref_squeeze %dma_start3A_11 : memref<1x64xi32, #tpu.memory_space<vmem>> -> memref<64xi32, #tpu.memory_space<vmem>>
    %dma_start3A_13 = arith.constant 0 : i32
    %dma_start3A_14 = arith.constant 0 : i32
    %dma_start3A_15 = tpu.memref_slice %arg2[%dma_start3A_13, %dma_start3A_14] : memref<24576x768xf32, #tpu.memory_space<hbm>> -> memref<24576x768xf32, #tpu.memory_space<hbm>>
    tpu.enqueue_indirect_dma source(%dma_start3A_15 : memref<24576x768xf32, #tpu.memory_space<hbm>>) target(%arg7 : memref<64x768xf32, #tpu.memory_space<vmem>>) offsets(%dma_start3A_12 : memref<64xi32, #tpu.memory_space<vmem>>) semaphore(%arg9 : memref<!tpu.dma_semaphore, #tpu.memory_space<semaphore_mem>>)
    %dma_wait3A = arith.constant 0 : i32
    %dma_wait3A_16 = arith.constant 0 : i32
    %dma_wait3A_17 = tpu.memref_slice %arg5[%dma_wait3A, %dma_wait3A_16] : memref<4x64xi32, #tpu.memory_space<vmem>> -> memref<1x64xi32, #tpu.memory_space<vmem>>
    %dma_wait3A_18 = tpu.memref_squeeze %dma_wait3A_17 : memref<1x64xi32, #tpu.memory_space<vmem>> -> memref<64xi32, #tpu.memory_space<vmem>>
    %dma_wait3A_19 = arith.constant 0 : i32
    %dma_wait3A_20 = arith.constant 0 : i32
    %dma_wait3A_21 = tpu.memref_slice %arg2[%dma_wait3A_19, %dma_wait3A_20] : memref<24576x768xf32, #tpu.memory_space<hbm>> -> memref<24576x768xf32, #tpu.memory_space<hbm>>
    tpu.wait_indirect_dma semaphore(%arg8 : memref<!tpu.dma_semaphore, #tpu.memory_space<semaphore_mem>>) src(%dma_wait3A_21 : memref<24576x768xf32, #tpu.memory_space<hbm>>) dst(%arg6 : memref<64x768xf32, #tpu.memory_space<vmem>>)
    %add3A_22 = arith.constant 0 : i32
    %add3A_23 = arith.addi %mul3A_2, %add3A_22 : i32
    %dma_start3A_24 = arith.constant 0 : i32
    %dma_start3A_25 = tpu.memref_slice %arg4[%add3A_23, %dma_start3A_24] : memref<8192x768xf32, #tpu.memory_space<hbm>> -> memref<64x768xf32, #tpu.memory_space<hbm>>
    %dma_start3A_26 = arith.constant 0 : i32
    %dma_start3A_27 = tpu.memref_slice %arg4[%add3A_23, %dma_start3A_26] : memref<8192x768xf32, #tpu.memory_space<hbm>> -> memref<64x768xf32, #tpu.memory_space<hbm>>
    tpu.enqueue_dma source(%arg6 : memref<64x768xf32, #tpu.memory_space<vmem>>) target(%dma_start3A_27 : memref<64x768xf32, #tpu.memory_space<hbm>>) target_semaphore(%arg10 : memref<!tpu.dma_semaphore, #tpu.memory_space<semaphore_mem>>)
    %dma_wait3A_28 = arith.constant 0 : i32
    %dma_wait3A_29 = tpu.memref_slice %arg4[%add3A_23, %dma_wait3A_28] : memref<8192x768xf32, #tpu.memory_space<hbm>> -> memref<64x768xf32, #tpu.memory_space<hbm>>
    %dma_wait3A_30 = arith.constant 0 : i32
    %dma_wait3A_31 = tpu.memref_slice %arg4[%add3A_23, %dma_wait3A_30] : memref<8192x768xf32, #tpu.memory_space<hbm>> -> memref<64x768xf32, #tpu.memory_space<hbm>>
    tpu.wait_dma2 semaphore(%arg10 : memref<!tpu.dma_semaphore, #tpu.memory_space<semaphore_mem>>) src(%arg6 : memref<64x768xf32, #tpu.memory_space<vmem>>) dst(%dma_wait3A_31 : memref<64x768xf32, #tpu.memory_space<hbm>>)
    %dma_start3A_32 = arith.constant 2 : i32
    %dma_start3A_33 = arith.constant 0 : i32
    %dma_start3A_34 = tpu.memref_slice %arg5[%dma_start3A_32, %dma_start3A_33] : memref<4x64xi32, #tpu.memory_space<vmem>> -> memref<1x64xi32, #tpu.memory_space<vmem>>
    %dma_start3A_35 = tpu.memref_squeeze %dma_start3A_34 : memref<1x64xi32, #tpu.memory_space<vmem>> -> memref<64xi32, #tpu.memory_space<vmem>>
    %dma_start3A_36 = arith.constant 0 : i32
    %dma_start3A_37 = arith.constant 0 : i32
    %dma_start3A_38 = tpu.memref_slice %arg2[%dma_start3A_36, %dma_start3A_37] : memref<24576x768xf32, #tpu.memory_space<hbm>> -> memref<24576x768xf32, #tpu.memory_space<hbm>>
    tpu.enqueue_indirect_dma source(%dma_start3A_38 : memref<24576x768xf32, #tpu.memory_space<hbm>>) target(%arg6 : memref<64x768xf32, #tpu.memory_space<vmem>>) offsets(%dma_start3A_35 : memref<64xi32, #tpu.memory_space<vmem>>) semaphore(%arg8 : memref<!tpu.dma_semaphore, #tpu.memory_space<semaphore_mem>>)
    %dma_wait3A_39 = arith.constant 1 : i32
    %dma_wait3A_40 = arith.constant 0 : i32
    %dma_wait3A_41 = tpu.memref_slice %arg5[%dma_wait3A_39, %dma_wait3A_40] : memref<4x64xi32, #tpu.memory_space<vmem>> -> memref<1x64xi32, #tpu.memory_space<vmem>>
    %dma_wait3A_42 = tpu.memref_squeeze %dma_wait3A_41 : memref<1x64xi32, #tpu.memory_space<vmem>> -> memref<64xi32, #tpu.memory_space<vmem>>
    %dma_wait3A_43 = arith.constant 0 : i32
    %dma_wait3A_44 = arith.constant 0 : i32
    %dma_wait3A_45 = tpu.memref_slice %arg2[%dma_wait3A_43, %dma_wait3A_44] : memref<24576x768xf32, #tpu.memory_space<hbm>> -> memref<24576x768xf32, #tpu.memory_space<hbm>>
    tpu.wait_indirect_dma semaphore(%arg9 : memref<!tpu.dma_semaphore, #tpu.memory_space<semaphore_mem>>) src(%dma_wait3A_45 : memref<24576x768xf32, #tpu.memory_space<hbm>>) dst(%arg7 : memref<64x768xf32, #tpu.memory_space<vmem>>)
    %add3A_46 = arith.constant 64 : i32
    %add3A_47 = arith.addi %mul3A_2, %add3A_46 : i32
    %dma_start3A_48 = arith.constant 0 : i32
    %dma_start3A_49 = tpu.memref_slice %arg4[%add3A_47, %dma_start3A_48] : memref<8192x768xf32, #tpu.memory_space<hbm>> -> memref<64x768xf32, #tpu.memory_space<hbm>>
    %dma_start3A_50 = arith.constant 0 : i32
    %dma_start3A_51 = tpu.memref_slice %arg4[%add3A_47, %dma_start3A_50] : memref<8192x768xf32, #tpu.memory_space<hbm>> -> memref<64x768xf32, #tpu.memory_space<hbm>>
    tpu.enqueue_dma source(%arg7 : memref<64x768xf32, #tpu.memory_space<vmem>>) target(%dma_start3A_51 : memref<64x768xf32, #tpu.memory_space<hbm>>) target_semaphore(%arg11 : memref<!tpu.dma_semaphore, #tpu.memory_space<semaphore_mem>>)
    %dma_wait3A_52 = arith.constant 0 : i32
    %dma_wait3A_53 = tpu.memref_slice %arg4[%add3A_47, %dma_wait3A_52] : memref<8192x768xf32, #tpu.memory_space<hbm>> -> memref<64x768xf32, #tpu.memory_space<hbm>>
    %dma_wait3A_54 = arith.constant 0 : i32
    %dma_wait3A_55 = tpu.memref_slice %arg4[%add3A_47, %dma_wait3A_54] : memref<8192x768xf32, #tpu.memory_space<hbm>> -> memref<64x768xf32, #tpu.memory_space<hbm>>
    tpu.wait_dma2 semaphore(%arg11 : memref<!tpu.dma_semaphore, #tpu.memory_space<semaphore_mem>>) src(%arg7 : memref<64x768xf32, #tpu.memory_space<vmem>>) dst(%dma_wait3A_55 : memref<64x768xf32, #tpu.memory_space<hbm>>)
    %dma_start3A_56 = arith.constant 3 : i32
    %dma_start3A_57 = arith.constant 0 : i32
    %dma_start3A_58 = tpu.memref_slice %arg5[%dma_start3A_56, %dma_start3A_57] : memref<4x64xi32, #tpu.memory_space<vmem>> -> memref<1x64xi32, #tpu.memory_space<vmem>>
    %dma_start3A_59 = tpu.memref_squeeze %dma_start3A_58 : memref<1x64xi32, #tpu.memory_space<vmem>> -> memref<64xi32, #tpu.memory_space<vmem>>
    %dma_start3A_60 = arith.constant 0 : i32
    %dma_start3A_61 = arith.constant 0 : i32
    %dma_start3A_62 = tpu.memref_slice %arg2[%dma_start3A_60, %dma_start3A_61] : memref<24576x768xf32, #tpu.memory_space<hbm>> -> memref<24576x768xf32, #tpu.memory_space<hbm>>
    tpu.enqueue_indirect_dma source(%dma_start3A_62 : memref<24576x768xf32, #tpu.memory_space<hbm>>) target(%arg7 : memref<64x768xf32, #tpu.memory_space<vmem>>) offsets(%dma_start3A_59 : memref<64xi32, #tpu.memory_space<vmem>>) semaphore(%arg9 : memref<!tpu.dma_semaphore, #tpu.memory_space<semaphore_mem>>)
    %dma_wait3A_63 = arith.constant 2 : i32
    %dma_wait3A_64 = arith.constant 0 : i32
    %dma_wait3A_65 = tpu.memref_slice %arg5[%dma_wait3A_63, %dma_wait3A_64] : memref<4x64xi32, #tpu.memory_space<vmem>> -> memref<1x64xi32, #tpu.memory_space<vmem>>
    %dma_wait3A_66 = tpu.memref_squeeze %dma_wait3A_65 : memref<1x64xi32, #tpu.memory_space<vmem>> -> memref<64xi32, #tpu.memory_space<vmem>>
    %dma_wait3A_67 = arith.constant 0 : i32
    %dma_wait3A_68 = arith.constant 0 : i32
    %dma_wait3A_69 = tpu.memref_slice %arg2[%dma_wait3A_67, %dma_wait3A_68] : memref<24576x768xf32, #tpu.memory_space<hbm>> -> memref<24576x768xf32, #tpu.memory_space<hbm>>
    tpu.wait_indirect_dma semaphore(%arg8 : memref<!tpu.dma_semaphore, #tpu.memory_space<semaphore_mem>>) src(%dma_wait3A_69 : memref<24576x768xf32, #tpu.memory_space<hbm>>) dst(%arg6 : memref<64x768xf32, #tpu.memory_space<vmem>>)
    %add3A_70 = arith.constant 128 : i32
    %add3A_71 = arith.addi %mul3A_2, %add3A_70 : i32
    %dma_start3A_72 = arith.constant 0 : i32
    %dma_start3A_73 = tpu.memref_slice %arg4[%add3A_71, %dma_start3A_72] : memref<8192x768xf32, #tpu.memory_space<hbm>> -> memref<64x768xf32, #tpu.memory_space<hbm>>
    %dma_start3A_74 = arith.constant 0 : i32
    %dma_start3A_75 = tpu.memref_slice %arg4[%add3A_71, %dma_start3A_74] : memref<8192x768xf32, #tpu.memory_space<hbm>> -> memref<64x768xf32, #tpu.memory_space<hbm>>
    tpu.enqueue_dma source(%arg6 : memref<64x768xf32, #tpu.memory_space<vmem>>) target(%dma_start3A_75 : memref<64x768xf32, #tpu.memory_space<hbm>>) target_semaphore(%arg10 : memref<!tpu.dma_semaphore, #tpu.memory_space<semaphore_mem>>)
    %dma_wait3A_76 = arith.constant 0 : i32
    %dma_wait3A_77 = tpu.memref_slice %arg4[%add3A_71, %dma_wait3A_76] : memref<8192x768xf32, #tpu.memory_space<hbm>> -> memref<64x768xf32, #tpu.memory_space<hbm>>
    %dma_wait3A_78 = arith.constant 0 : i32
    %dma_wait3A_79 = tpu.memref_slice %arg4[%add3A_71, %dma_wait3A_78] : memref<8192x768xf32, #tpu.memory_space<hbm>> -> memref<64x768xf32, #tpu.memory_space<hbm>>
    tpu.wait_dma2 semaphore(%arg10 : memref<!tpu.dma_semaphore, #tpu.memory_space<semaphore_mem>>) src(%arg6 : memref<64x768xf32, #tpu.memory_space<vmem>>) dst(%dma_wait3A_79 : memref<64x768xf32, #tpu.memory_space<hbm>>)
    %dma_wait3A_80 = arith.constant 3 : i32
    %dma_wait3A_81 = arith.constant 0 : i32
    %dma_wait3A_82 = tpu.memref_slice %arg5[%dma_wait3A_80, %dma_wait3A_81] : memref<4x64xi32, #tpu.memory_space<vmem>> -> memref<1x64xi32, #tpu.memory_space<vmem>>
    %dma_wait3A_83 = tpu.memref_squeeze %dma_wait3A_82 : memref<1x64xi32, #tpu.memory_space<vmem>> -> memref<64xi32, #tpu.memory_space<vmem>>
    %dma_wait3A_84 = arith.constant 0 : i32
    %dma_wait3A_85 = arith.constant 0 : i32
    %dma_wait3A_86 = tpu.memref_slice %arg2[%dma_wait3A_84, %dma_wait3A_85] : memref<24576x768xf32, #tpu.memory_space<hbm>> -> memref<24576x768xf32, #tpu.memory_space<hbm>>
    tpu.wait_indirect_dma semaphore(%arg9 : memref<!tpu.dma_semaphore, #tpu.memory_space<semaphore_mem>>) src(%dma_wait3A_86 : memref<24576x768xf32, #tpu.memory_space<hbm>>) dst(%arg7 : memref<64x768xf32, #tpu.memory_space<vmem>>)
    %add3A_87 = arith.constant 192 : i32
    %add3A_88 = arith.addi %mul3A_2, %add3A_87 : i32
    %dma_start3A_89 = arith.constant 0 : i32
    %dma_start3A_90 = tpu.memref_slice %arg4[%add3A_88, %dma_start3A_89] : memref<8192x768xf32, #tpu.memory_space<hbm>> -> memref<64x768xf32, #tpu.memory_space<hbm>>
    %dma_start3A_91 = arith.constant 0 : i32
    %dma_start3A_92 = tpu.memref_slice %arg4[%add3A_88, %dma_start3A_91] : memref<8192x768xf32, #tpu.memory_space<hbm>> -> memref<64x768xf32, #tpu.memory_space<hbm>>
    tpu.enqueue_dma source(%arg7 : memref<64x768xf32, #tpu.memory_space<vmem>>) target(%dma_start3A_92 : memref<64x768xf32, #tpu.memory_space<hbm>>) target_semaphore(%arg11 : memref<!tpu.dma_semaphore, #tpu.memory_space<semaphore_mem>>)
    %dma_wait3A_93 = arith.constant 0 : i32
    %dma_wait3A_94 = tpu.memref_slice %arg4[%add3A_88, %dma_wait3A_93] : memref<8192x768xf32, #tpu.memory_space<hbm>> -> memref<64x768xf32, #tpu.memory_space<hbm>>
    %dma_wait3A_95 = arith.constant 0 : i32
    %dma_wait3A_96 = tpu.memref_slice %arg4[%add3A_88, %dma_wait3A_95] : memref<8192x768xf32, #tpu.memory_space<hbm>> -> memref<64x768xf32, #tpu.memory_space<hbm>>
    tpu.wait_dma2 semaphore(%arg11 : memref<!tpu.dma_semaphore, #tpu.memory_space<semaphore_mem>>) src(%arg7 : memref<64x768xf32, #tpu.memory_space<vmem>>) dst(%dma_wait3A_96 : memref<64x768xf32, #tpu.memory_space<hbm>>)
    return
  }
}

module attributes {stable_mosaic.version = 14 : i64} {
  func.func @_mm_body(%arg0: i32, %arg1: memref<96xi32, #tpu.memory_space<smem>>, %arg2: memref<96xi32, #tpu.memory_space<smem>>, %arg3: memref<96xi32, #tpu.memory_space<smem>>, %arg4: memref<96xi32, #tpu.memory_space<smem>>, %arg5: memref<256x768xf32, #tpu.memory_space<vmem>>, %arg6: memref<1x768x768xf32, #tpu.memory_space<vmem>>, %arg7: memref<1x1x768xf32, #tpu.memory_space<vmem>>, %arg8: memref<256x2xf32, #tpu.memory_space<vmem>>, %arg9: memref<256x768xf32, #tpu.memory_space<vmem>>) attributes {dimension_semantics = [#tpu.dimension_semantics<parallel>], iteration_bounds = array<i64: 96>, scalar_prefetch = 4 : i64, scratch_operands = 0 : i64, tpu.core_type = #tpu.core_type<tc>, window_params = [{transform_indices = @transform_0, window_bounds = array<i64: 256, 768>}, {transform_indices = @transform_1, window_bounds = array<i64: 1, 768, 768>}, {transform_indices = @transform_2, window_bounds = array<i64: 1, 1, 768>}, {transform_indices = @transform_3, window_bounds = array<i64: 256, 2>}, {transform_indices = @transform_4, window_bounds = array<i64: 256, 768>}]} {
    %get3A = arith.index_cast %arg0 : i32 to index
    %get3A_0 = memref.load %arg4[%get3A] : memref<96xi32, #tpu.memory_space<smem>>
    %eq3A = arith.constant 1 : i32
    %eq3A_1 = arith.cmpi eq, %get3A_0, %eq3A : i32
    %convert_element_type3A = arith.extui %eq3A_1 : i1 to i32
    %cond3A = arith.constant 0 : i32
    %cond3A_2 = arith.cmpi ne, %convert_element_type3A, %cond3A : i32
    scf.if %cond3A_2 {
      %get3A_3 = arith.constant 0 : index
      %get3A_4 = arith.constant 0 : index
      %get3A_5 = vector.load %arg5[%get3A_3, %get3A_4] : memref<256x768xf32, #tpu.memory_space<vmem>>, vector<256x768xf32>
      %convert_element_type3A_6 = arith.truncf %get3A_5 : vector<256x768xf32> to vector<256x768xbf16>
      %get3A_7 = arith.constant 0 : index
      %get3A_8 = arith.constant 0 : index
      %get3A_9 = arith.constant 0 : index
      %get3A_10 = vector.load %arg6[%get3A_7, %get3A_8, %get3A_9] : memref<1x768x768xf32, #tpu.memory_space<vmem>>, vector<1x768x768xf32>
      %get3A_11 = vector.shape_cast %get3A_10 : vector<1x768x768xf32> to vector<768x768xf32>
      %convert_element_type3A_12 = arith.truncf %get3A_11 : vector<768x768xf32> to vector<768x768xbf16>
      %dot_general3A = arith.constant dense<0.000000e+00> : vector<256x768xf32>
      %dot_general3A_13 = tpu.matmul %convert_element_type3A_6, %convert_element_type3A_12, %dot_general3A {dimension_numbers = #tpu.dot_dimension_numbers<[1], [0], [0], [1], [0, 0, 1, 1], [], []>, transpose_lhs_hint = false} : vector<256x768xbf16>, vector<768x768xbf16>, vector<256x768xf32> -> vector<256x768xf32>
      %get3A_14 = arith.constant 0 : index
      %get3A_15 = arith.constant 0 : index
      %get3A_16 = arith.constant 0 : index
      %get3A_17 = vector.load %arg7[%get3A_14, %get3A_15, %get3A_16] : memref<1x1x768xf32, #tpu.memory_space<vmem>>, vector<1x1x768xf32>
      %get3A_18 = vector.shape_cast %get3A_17 : vector<1x1x768xf32> to vector<768xf32>
      %broadcast_in_dim3A = vector.shape_cast %get3A_18 : vector<768xf32> to vector<1x768xf32>
      %add3A = vector.broadcast %broadcast_in_dim3A : vector<1x768xf32> to vector<256x768xf32>
      %add3A_19 = arith.addf %dot_general3A_13, %add3A : vector<256x768xf32>
      %get3A_20 = arith.constant 0 : index
      %get3A_21 = arith.constant 0 : index
      %get3A_22 = vector.load %arg8[%get3A_20, %get3A_21] : memref<256x2xf32, #tpu.memory_space<vmem>>, vector<256x2xf32>
      %slice3A = vector.extract_strided_slice %get3A_22 {offsets = [0, 0], sizes = [256, 1], strides = [1, 1]} : vector<256x2xf32> to vector<256x1xf32>
      %mul3A = vector.broadcast %slice3A : vector<256x1xf32> to vector<256x768xf32>
      %mul3A_23 = arith.mulf %add3A_19, %mul3A : vector<256x768xf32>
      %swap3A = arith.constant 0 : index
      %swap3A_24 = arith.constant 0 : index
      %swap3A_25 = vector.load %arg9[%swap3A, %swap3A_24] : memref<256x768xf32, #tpu.memory_space<vmem>>, vector<256x768xf32>
      tpu.vector_store %arg9[%swap3A, %swap3A_24], %mul3A_23 {strides = array<i32>} : memref<256x768xf32, #tpu.memory_space<vmem>>, vector<256x768xf32>,
    } else {
    }
    return
  }
  func.func @transform_0(%arg0: i32, %arg1: memref<96xi32, #tpu.memory_space<smem>>, %arg2: memref<96xi32, #tpu.memory_space<smem>>, %arg3: memref<96xi32, #tpu.memory_space<smem>>, %arg4: memref<96xi32, #tpu.memory_space<smem>>) -> (i32, i32) {
    %get3A = arith.index_cast %arg0 : i32 to index
    %get3A_0 = memref.load %arg2[%get3A] : memref<96xi32, #tpu.memory_space<smem>>
    %c0_i32 = arith.constant 0 : i32
    %c0_i32_1 = arith.constant 0 : i32
    return %get3A_0, %c0_i32 : i32, i32
  }
  func.func @transform_1(%arg0: i32, %arg1: memref<96xi32, #tpu.memory_space<smem>>, %arg2: memref<96xi32, #tpu.memory_space<smem>>, %arg3: memref<96xi32, #tpu.memory_space<smem>>, %arg4: memref<96xi32, #tpu.memory_space<smem>>) -> (i32, i32, i32) {
    %get3A = arith.index_cast %arg0 : i32 to index
    %get3A_0 = memref.load %arg1[%get3A] : memref<96xi32, #tpu.memory_space<smem>>
    %c0_i32 = arith.constant 0 : i32
    %c0_i32_1 = arith.constant 0 : i32
    %c0_i32_2 = arith.constant 0 : i32
    return %get3A_0, %c0_i32, %c0_i32_1 : i32, i32, i32
  }
  func.func @transform_2(%arg0: i32, %arg1: memref<96xi32, #tpu.memory_space<smem>>, %arg2: memref<96xi32, #tpu.memory_space<smem>>, %arg3: memref<96xi32, #tpu.memory_space<smem>>, %arg4: memref<96xi32, #tpu.memory_space<smem>>) -> (i32, i32, i32) {
    %get3A = arith.index_cast %arg0 : i32 to index
    %get3A_0 = memref.load %arg1[%get3A] : memref<96xi32, #tpu.memory_space<smem>>
    %c0_i32 = arith.constant 0 : i32
    %c0_i32_1 = arith.constant 0 : i32
    %c0_i32_2 = arith.constant 0 : i32
    return %get3A_0, %c0_i32, %c0_i32_1 : i32, i32, i32
  }
  func.func @transform_3(%arg0: i32, %arg1: memref<96xi32, #tpu.memory_space<smem>>, %arg2: memref<96xi32, #tpu.memory_space<smem>>, %arg3: memref<96xi32, #tpu.memory_space<smem>>, %arg4: memref<96xi32, #tpu.memory_space<smem>>) -> (i32, i32) {
    %get3A = arith.index_cast %arg0 : i32 to index
    %get3A_0 = memref.load %arg2[%get3A] : memref<96xi32, #tpu.memory_space<smem>>
    %c0_i32 = arith.constant 0 : i32
    %c0_i32_1 = arith.constant 0 : i32
    return %get3A_0, %c0_i32 : i32, i32
  }
  func.func @transform_4(%arg0: i32, %arg1: memref<96xi32, #tpu.memory_space<smem>>, %arg2: memref<96xi32, #tpu.memory_space<smem>>, %arg3: memref<96xi32, #tpu.memory_space<smem>>, %arg4: memref<96xi32, #tpu.memory_space<smem>>) -> (i32, i32) {
    %get3A = arith.index_cast %arg0 : i32 to index
    %get3A_0 = memref.load %arg3[%get3A] : memref<96xi32, #tpu.memory_space<smem>>
    %c0_i32 = arith.constant 0 : i32
    %c0_i32_1 = arith.constant 0 : i32
    return %get3A_0, %c0_i32 : i32, i32
  }
}

</mosaic_0001>

<sc_bundles>
// kernel: kernel.5.cloned.1.call-start
scs
__scs_entry_jumppad:
0x0: {  	(pc) =	sbr.rel $0x88, $3  }
0x1: {  	(tag) =	ssettag $0x0;
	lr =	simm.s32 $0x1  }
0x2: {  	[smem:$0x3F9C] =	sst lr;
	_ =	strace $0xD0000000  }
0x3: {  	_ = 	snop  }
0x4: {  	_ = 	snop  }
0x5: {  	_ = 	snop  }
0x6: {  	_ = 	snop  }
0x7: {  	_ = 	snop  }
__scs_overlays_trampoline_lowered:
0x8: {  	[smem:$0x3FAB] =	sst s0  }
0x9: {  	[smem:$0x3FAC] =	sst s1  }
0xa: {  	[smem:$0x3FAD] =	sst s2  }
0xb: {  	[smem:$0x3FAE] =	sst s3  }
0xc: {  	[smem:$0x3FAF] =	sst s4  }
0xd: {  	[smem:$0x3FB0] =	sst s5  }
0xe: {  	[smem:$0x3FB1] =	sst s6  }
0xf: {  	[smem:$0x3FB2] =	sst s7  }
0x10: {  	[smem:$0x3FB3] =	sst s8  }
0x11: {  	[smem:$0x3FB4] =	sst s9;
	s0 =	simm.s32 @!p0 $0x0  }
0x12: {  	s1 =	sld [smem:$0x3F9A];
	s0 =	simm.s32 @p0 $0x1  }
0x13: {  	[smem:$0x3FB5] =	sst s0;
	s0 =	simm.s32 @!p1 $0x0  }
0x14: {  	s2 =	sld [smem:$0x3F99];
	s0 =	simm.s32 @p1 $0x1  }
0x15: {  	[smem:$0x3FB6] =	sst s0;
	s0 =	simm.s32 @!p2 $0x0  }
0x16: {  	s3 =	sld [smem:$0x3FDB];
	s0 =	simm.s32 @p2 $0x1  }
0x17: {  	s4 =	simm.s32 $0x1BF5;
	[smem:$0x3FB8] =	sst s0  }
0x18: {  	s0 =	sld [smem:$0x3F9B];
	_ =	swait.ge [sflag:s4], $0x0  }
0x19: {  	s7 =	sld [smem:$0x3F9C]  }
0x1a: {  	s8 =	sadd.s32 $0xFFFFE003, lr  }
0x1b: {  	s9 =	sadd.s32 $0xFFFFFEF7, lr;
	s5 =	simm.s32 $0xFFFFFFFF;
	p2 =	slt.u32 s8, $0xFFFFF086  }
0x1c: {  	p1 =	slt.u32 s9, $0xF7A;
	s5 =	simm.s32 @!p2 $0x0  }
0x1d: {  	s5 =	simm.s32 @p1 $0x1;
	p0 =	seq.s32 s7, s2  }
0x1e: {  	s7 =	smul.u32 @!p0 $0xF7A, s2;
	p2 =	seq.s32 @!p0 s5, $0x0  }
0x1f: {  	s9 =	smul.u32 $0xF7A, s1;
	s8 =	simm.s32 @!p0 $0x1BF5;
	p2 =	por !p2, p0  }
0x20: {  	[sflag:s8] =	ssyncset.s32 @!p0 $0xFFFFF086;
	s6 =	sadd.s32 @!p0 s3, s7;
	s7 =	simm.s32 @!p0 $0x108  }
0x21: {  	s3 =	sadd.s32 s3, s9;
	s6 =	sadd.s32 @!p0 $0x88, s6;
	s7 =	simm.s32 @p2 $0x1082  }
0x22: {  	[simem:s7], [sflag:s8] =	dma.local @!p0 [hbm:s6], $0xF7A  }
0x23: {  	s9 =	sor.u32 $0xD0000000, s2;
	s6 =	simm.s32 $0x108;
	_ =	swait.ge @!p0 [sflag:s8], $0x0  }
0x24: {  	s3 =	sadd.s32 $0x88, s3;
	s6 =	simm.s32 @!p1 $0x1082;
	[sflag:s4] =	ssyncset.s32 $0xFFFFF086  }
0x25: {  	[simem:s6], [sflag:s4] =	dma.local [hbm:s3], $0xF7A  }
0x26: {  	[smem:$0x3F9C] =	sst s1;
	(tag) =	ssettag s2;
	_ =	strace s9  }
0x27: {  	s1 =	sld [smem:$0x3FAC]  }
0x28: {  	s2 =	sld [smem:$0x3FAD]  }
0x29: {  	s4 =	sld [smem:$0x3FAF]  }
0x2a: {  	p0 =	seq.s32 s5, $0x0;
	s5 =	sld [smem:$0x3FB0]  }
0x2b: {  	s6 =	sld [smem:$0x3FB1]  }
0x2c: {  	s7 =	sld [smem:$0x3FB2]  }
0x2d: {  	s3 =	simm.s32 $0x108;
	s8 =	sld [smem:$0x3FB3]  }
0x2e: {  	s3 =	simm.s32 @!p0 $0x1082;
	s9 =	sld [smem:$0x3FB4]  }
0x2f: {  	lr =	sadd.s32 s0, s3;
	s0 =	sld [smem:$0x3FAB]  }
0x30: {  	s3 =	sld [smem:$0x3FAE]  }
0x31: {  	[smem:$0x3FB7] =	sst s10  }
0x32: {  	s10 =	sld [smem:$0x3FB5];
	_ =	sdelay $0x3  }
0x33: {  	p0 =	seq.s32 s10, $0x1;
	s10 =	sld [smem:$0x3FB7];
	_ =	sdelay $0x3  }
0x34: {  	[smem:$0x3FB7] =	sst s10  }
0x35: {  	s10 =	sld [smem:$0x3FB6];
	_ =	sdelay $0x3  }
0x36: {  	p1 =	seq.s32 s10, $0x1;
	s10 =	sld [smem:$0x3FB7];
	_ =	sdelay $0x3  }
0x37: {  	[smem:$0x3FB7] =	sst s10  }
0x38: {  	s10 =	sld [smem:$0x3FB8]  }
0x39: {  	_ = 	snop;
	(pc) =	sbr.ind lr, $3  }
0x3a: {  	_ = 	snop  }
0x3b: {  	_ = 	snop  }
0x3c: {  	p2 =	seq.s32 s10, $0x1;
	s10 =	sld [smem:$0x3FB7]  }
0x3d: {  	_ =	shalt  }
0x3e: {  	_ =	shalt  }
0x3f: {  	_ =	shalt  }
0x40: {  	_ =	shalt  }
0x41: {  	_ =	shalt  }
0x42: {  	_ =	shalt  }
0x43: {  	_ =	shalt  }
0x44: {  	_ =	shalt  }
0x45: {  	_ =	shalt  }
0x46: {  	_ =	shalt  }
0x47: {  	_ =	shalt  }
0x48: {  	_ =	shalt  }
0x49: {  	_ =	shalt  }
0x4a: {  	_ =	shalt  }
0x4b: {  	_ =	shalt  }
0x4c: {  	_ =	shalt  }
0x4d: {  	_ =	shalt  }
0x4e: {  	_ =	shalt  }
0x4f: {  	_ =	shalt  }
0x50: {  	_ =	shalt  }
0x51: {  	_ =	shalt  }
0x52: {  	_ =	shalt  }
0x53: {  	_ =	shalt  }
0x54: {  	_ =	shalt  }
0x55: {  	_ =	shalt  }
0x56: {  	_ =	shalt  }
0x57: {  	_ =	shalt  }
0x58: {  	_ =	shalt  }
0x59: {  	_ =	shalt  }
0x5a: {  	_ =	shalt  }
0x5b: {  	_ =	shalt  }
0x5c: {  	_ =	shalt  }
0x5d: {  	_ =	shalt  }
0x5e: {  	_ =	shalt  }
0x5f: {  	_ =	shalt  }
0x60: {  	_ =	shalt  }
0x61: {  	_ =	shalt  }
0x62: {  	_ =	shalt  }
0x63: {  	_ =	shalt  }
0x64: {  	_ =	shalt  }
0x65: {  	_ =	shalt  }
0x66: {  	_ =	shalt  }
0x67: {  	_ =	shalt  }
0x68: {  	_ =	shalt  }
0x69: {  	_ =	shalt  }
0x6a: {  	_ =	shalt  }
0x6b: {  	_ =	shalt  }
0x6c: {  	_ =	shalt  }
0x6d: {  	_ =	shalt  }
0x6e: {  	_ =	shalt  }
0x6f: {  	_ =	shalt  }
0x70: {  	_ =	shalt  }
0x71: {  	_ =	shalt  }
0x72: {  	_ =	shalt  }
0x73: {  	_ =	shalt  }
0x74: {  	_ =	shalt  }
0x75: {  	_ =	shalt  }
0x76: {  	_ =	shalt  }
0x77: {  	_ =	shalt  }
0x78: {  	_ =	shalt  }
0x79: {  	_ =	shalt  }
0x7a: {  	_ =	shalt  }
0x7b: {  	_ =	shalt  }
0x7c: {  	_ =	shalt  }
0x7d: {  	_ =	shalt  }
0x7e: {  	_ =	shalt  }
0x7f: {  	_ =	shalt  }
0x80: {  	_ =	shalt  }
0x81: {  	_ =	shalt  }
0x82: {  	_ =	shalt  }
0x83: {  	_ =	shalt  }
0x84: {  	_ =	shalt  }
0x85: {  	_ =	shalt  }
0x86: {  	_ =	shalt  }
0x87: {  	_ =	shalt  }
.Lfunc_end0:
.L_simem_size_0:
called_computation_lowered:
.L_overlay_start_0:
0x88: {  	s2 =	sld [smem:$0x3FD9]  }
0x89: {  	s3 =	sld [smem:$0x3FFE];
	_ =	sdelay $0x1  }
0x8a: {  	s1 =	srdreg.scid  }
0x8b: {  	s0 =	sand.u32 $0x1, s1  }
0x8c: {  	s17 =	sshll.u32 s0, $0xA;
	s2 =	sadd.s32 s3, s2  }
0x8d: {  	s2 =	sadd.s32 s2, s17  }
0x8e: {  	[smem:$0x3FC3] =	sst s2  }
0x8f: {  	_ = 	snop  }
0x90: {  	s2 =	sld [smem:$0x3FC9];
	(tm) =	ssettm $0x1  }
0x91: {  	s18 =	sld [smem:$0x3FFB];
	_ =	sdelay $0x3  }
0x92: {  	_ =	strace s18  }
0x93: {  	s3 =	sld [smem:$0x3FFC];
	_ =	sdelay $0x3  }
0x94: {  	_ =	strace s3  }
0x95: {  	s3 =	sld [smem:$0x3FFD];
	_ =	sdelay $0x3  }
0x96: {  	_ =	strace s3  }
0x97: {  	_ =	strace $0x8FFFFFFF  }
0x98: {  	s19 =	sld [smem:$0x3FDB];
	_ =	sdelay $0x1  }
0x99: {  	s4 =	simm.s32 $_scs_section_size  }
0x9a: {  	s5 =	simm.s32 $_size__tile_overlayer_lowered;
	s6 =	simm.s32 $_tile_overlayer_lowered  }
0x9b: {  	s22 =	simm.s32 $0x1BFF;
	s21 =	sshll.u32 s6, $0x1;
	s3 =	sadd.s32 s4, s19  }
0x9c: {  	s7 =	simm.s32 $0x0;
	s20 =	sshll.u32 s5, $0x1;
	s5 =	sadd.s32 s21, s3  }
0x9d: {  	[timem:s7], [sflag:s22] =	dma.local [hbm:s5], s20  }
0x9e: {  	_ =	swait.ge [sflag:s22], s20  }
0x9f: {  	s4 =	ssub.s32 $0x0, s20;
	[sflag:s22] =	ssyncset.done $0x0  }
0xa0: {  	[sflag:s22] =	ssyncadd.s32 s4;
	_ =	sdelay $0x1  }
0xa1: {  	s23 =	simm.s32 $0x1B8B  }
0xa2: {  	_ =	swait.ge [sflag:s23], $0x1  }
0xa3: {  	[sflag:s23] =	ssyncset.done $0x0  }
0xa4: {  	s25 =	simm.s32 $0x1B8E;
	s24 =	sld [smem:$0x3FFE];
	[sflag:s23] =	ssyncadd.s32 $0xFFFFFFFF  }
0xa5: {  	s26 =	simm.s32 $execute0_lowered;
	[smem:$0x3FD2] =	sst s25  }
0xa6: {  	s5 =	sshll.u32 s26, $0x1;
	_ =	strace $0x80000046;
	[dreg:$0x1] =	wrdreg $0xFFFFFFFF  }
0xa7: {  	s28 =	simm.s32 $_size_execute0_lowered;
	s3 =	sadd.s32 s3, s5;
	[dreg:$0x0] =	wrdreg $0x0  }
0xa8: {  	s5 =	sshll.u32 s28, $0x1;
	[dreg:$0x2] =	wrdreg s3  }
0xa9: {  	[dreg:$0x3] =	wrdreg s5  }
0xaa: {  	[dreg:$0x4] =	wrdreg $0xC0  }
0xab: {  	_ =	task [dreg:s7], $0x5FFFF  }
0xac: {  	[dreg:$0x1] =	wrdreg $0xFFFFFFFF  }
0xad: {  	[dreg:$0x0] =	wrdreg $0x60  }
0xae: {  	[dreg:$0x2] =	wrdreg s2  }
0xaf: {  	[dreg:$0x3] =	wrdreg s24  }
0xb0: {  	[dreg:$0x4] =	wrdreg $0x9  }
0xb1: {  	_ =	task.clear_ibuf [dreg:s7], $0x5FFFF;
	_ =	strace $0x90000046  }
0xb2: {  	s29 =	simm.s32 $0x9;
	_ =	strace $0x80000048  }
0xb3: {  	_ =	swait.ge [sflag:s29], $0x1  }
0xb4: {  	[sflag:s29] =	ssyncadd.s32 $0xFFFFFFFF  }
0xb5: {  	_ =	strace $0x90000048  }
0xb6: {  	_ =	sfence  }
0xb7: {  	s30 =	sld [smem:$0x0];
	_ =	sdelay $0x2  }
0xb8: {  	s31 =	sshll.u32 s1, $0xD;
	s1 =	sshrl.u32 s1, $0x2  }
0xb9: {  	s3 =	sand.u32 $0x4000, s31;
	s1 =	sadd.s32 s1, s30  }
0xba: {  	s0 =	sor.u32 s3, s0;
	s1 =	sshll.u32 s1, $0x11  }
0xbb: {  	s0 =	sor.u32 s1, s0  }
0xbc: {  	s0 =	sadd.s32 $0x8F2B, s0  }
0xbd: {  	[sflag:s0] =	ssyncadd.remote.s32 $0x1  }
0xbe: {  	_ =	sfence.sel $0xFFFF  }
0xbf: {  	[dreg:$0x0] =	wrdreg $0xFFFFFFFF;
	(pc) =	sbr.abs _section_cstart, $3  }
0xc0: {  	[dreg:$0x1] =	wrdreg $0xFFFFFFFF  }
0xc1: {  	_ =	task.clear_ibuf [dreg:s7], $0x2FFFF;
	_ =	strace $0x9FFFFFFF  }
0xc2: {  	(tm) =	ssettm $0x7FFFFFFF  }
0xc3: {  	_ =	shalt  }
tec
execute0_lowered:
.L_overlay_start_1:
0x0: {  	(tag) =	ssettag $0x1  }
0x1: {  	s0 =	rddreg [dreg:$0x0]  }
0x2: {  	s1 =	srdreg.scid;
	s2 =	stileid.u32  }
0x3: {  	s4 =	rddreg [dreg:$0x1];
	s11 =	simm.s32 $0xC200;
	s13 =	simm.s32 $0x1  }
0x4: {  	s18 =	simm.s32 $0x2;
	s9 =	simm.s32 $0xDA00;
	s12 =	simm.s32 $0xE200  }
0x5: {  	s14 =	simm.s32 $0xEA00;
	s15 =	simm.s32 $0xF200;
	s16 =	simm.s32 $0xFA00  }
0x6: {  	s17 =	simm.s32 $0x10200;
	s21 =	simm.s32 $0x11200;
	s22 =	simm.s32 $0x11A00  }
0x7: {  	s28 =	simm.s32 $0x14200;
	s29 =	simm.s32 $0x14A00;
	s30 =	simm.s32 $0x15200  }
0x8: {  	s1 =	sand.u32 $0x1, s1;
	s3 =	sshll.u32 s2, $0x1;
	s2 =	simm.s32 $0x0  }
0x9: {  	s31 =	simm.s32 $0x15A00;
	s5 =	sor.u32 s1, s3;
	[smem:$0x7FF] =	sst s2  }
0xa: {  	s3 =	sadd.s32 $0x800, s4;
	s1 =	ssub.s32 $0x2, s1;
	s6 =	smul.u32 $0x6000, s5  }
0xb: {  	s7 =	smul.u32 $0x30000, s5;
	s5 =	sshll.u32 s5, $0x6;
	s25 =	sshrl.u32 s1, $0x1  }
0xc: {  	_ =	strace $0x80000047;
	s5 =	sadd.s32 s4, s5;
	s1 =	ssub.s32 s1, s25  }
0xd: {  	s25 =	simm.s32 $0x13200;
	s8 =	sadd.s32 s0, s6;
	s23 =	sshrl.u32 s7, $0x3  }
0xe: {  	[dreg:$0x3] =	wrdreg s5;
	s5 =	sadd.s32 $0x900, s4;
	s6 =	sadd.s32 $0xA00, s4  }
0xf: {  	s7 =	smax.u32 s1, $0x1;
	s1 =	simm.s32 $0x4;
	s4 =	simm.s32 $0xCA00  }
0x10: {  	[dreg:$0x7] =	wrdreg s8;
	s24 =	sadd.s32 $0x1800, s8;
	s0 =	sadd.s32 s0, s23  }
0x11: {  	v2 =	vlaneseq.u32;
	s8 =	simm.s32 $0xD200;
	[dreg:$0x4] =	wrdreg s24;
	s26 =	sadd.s32 $0x3000, s0  }
0x12: {  	vm0 =	vmmov $0xffff;
	v1 =	vshrl.u32 v2, $0x3;
	s23 =	simm.s32 $0x12200;
	s0 =	sadd.s32 $0x4800, s0;
	[dreg:$0x5] =	wrdreg s26  }
0x13: {  	v0 =	vand.u32 $0x7, v2;
	v2 =	vor.u32 $0x8, v2;
	v1 =	vmul.u32 $0x8, v1;
	s24 =	simm.s32 $0x12A00;
	[dreg:$0x6] =	wrdreg s0;
	s26 =	simm.s32 $0x13A00  }
.LBB2_1:
0x14: {  	s19 =	rddreg [dreg:$0x3];
	s0 =	simm.s32 $0x5  }
0x15: {  	[tilespmem:s2], [sflag:$0x5] =	stream.linear.gather [hbm4b:s19+s2], $0x200, $0x38;
	[tilespmem:$0x18200] =	vst v63  }
0x16: {  	_ =	swait.ge [sflag:s0], $0x200  }
0x17: {  	[sflag:s0] =	ssyncset.done $0x0  }
0x18: {  	s10 =	simm.s32 $0x200;
	s20 =	rddreg [dreg:$0x7];
	[sflag:s0] =	ssyncadd.s32 $0xFFFFFE00  }
0x19: {  	[tilespmem:s10], [sflag:$0x1] =	stream.linear.gather [hbm4b:s20+s2], $0xC000, $0x38;
	[tilespmem:$0x18200] =	vst v63  }
0x1a: {  	s0 =	rddreg [dreg:$0x4]  }
0x1b: {  	[tilespmem:s11], [sflag:$0x2] =	stream.linear.gather [hbm4b:s0+s2], $0xC000, $0x38;
	[tilespmem:$0x18200] =	vst v63  }
0x1c: {  	_ =	swait.ge [sflag:s13], $0xC000  }
0x1d: {  	[sflag:s13] =	ssyncset.done $0x0  }
0x1e: {  	[sflag:s13] =	ssyncadd.s32 $0xFFFF4000  }
0x1f: {  	v3 =	vld [tilespmem:$0x0];
	_ =	sdelay $0x4  }
0x20: {  	v4 =	vshrl.u32 v3, $0x3  }
0x21: {  	v4 =	vmul.u32 $0x30, v4  }
0x22: {  	v3 =	vand.u32 $0x7, v3  }
0x23: {  	v3 =	vor.u32 v3, v4  }
0x24: {  	v4 =	vperm.xlane v3, v0;
	_ =	sdelay $0x1  }
0x25: {  	v4 =	vadd.s32 v1, v4;
	_ =	sdelay $0x3  }
0x26: {  	v3 =	vperm.xlane v3, v2  }
0x27: {  	[hbm4b:s3+s2] =	stream.indirect_vreg.scatter [tilespmem:s10], [sflag:$0x3], $0x80, v4, vm0, $0xb8;
	[tilespmem:$0x18200] =	vst v63  }
0x28: {  	s19 =	simm.s32 $0xA00;
	v3 =	vadd.s32 v1, v3  }
0x29: {  	[hbm4b:s5+s2] =	stream.indirect_vreg.scatter [tilespmem:s19], [sflag:$0x3], $0x80, v4, vm0, $0xb8;
	[tilespmem:$0x18200] =	vst v63  }
0x2a: {  	s20 =	simm.s32 $0x1200  }
0x2b: {  	[hbm4b:s6+s2] =	stream.indirect_vreg.scatter [tilespmem:s20], [sflag:$0x3], $0x80, v4, vm0, $0xb8;
	[tilespmem:$0x18200] =	vst v63  }
0x2c: {  	s19 =	simm.s32 $0x1A00  }
0x2d: {  	[hbm4b:s3+s2] =	stream.indirect_vreg.scatter [tilespmem:s19], [sflag:$0x3], $0x80, v3, vm0, $0xb8;
	[tilespmem:$0x18200] =	vst v63  }
0x2e: {  	s20 =	simm.s32 $0x2200  }
0x2f: {  	[hbm4b:s5+s2] =	stream.indirect_vreg.scatter [tilespmem:s20], [sflag:$0x3], $0x80, v3, vm0, $0xb8;
	[tilespmem:$0x18200] =	vst v63  }
0x30: {  	s19 =	simm.s32 $0x2A00  }
0x31: {  	[hbm4b:s6+s2] =	stream.indirect_vreg.scatter [tilespmem:s19], [sflag:$0x3], $0x80, v3, vm0, $0xb8;
	[tilespmem:$0x18200] =	vst v63  }
0x32: {  	v3 =	vld [tilespmem:$0x10];
	_ =	sdelay $0x4  }
0x33: {  	v49 =	vshrl.u32 v3, $0x3  }
0x34: {  	v4 =	vmul.u32 $0x30, v49  }
0x35: {  	v3 =	vand.u32 $0x7, v3  }
0x36: {  	v3 =	vor.u32 v3, v4  }
0x37: {  	v4 =	vperm.xlane v3, v0;
	_ =	sdelay $0x1  }
0x38: {  	v4 =	vadd.s32 v1, v4;
	_ =	sdelay $0x3  }
0x39: {  	s20 =	simm.s32 $0x3200;
	v3 =	vperm.xlane v3, v2  }
0x3a: {  	[hbm4b:s3+s2] =	stream.indirect_vreg.scatter [tilespmem:s20], [sflag:$0x3], $0x80, v4, vm0, $0xb8;
	[tilespmem:$0x18200] =	vst v63  }
0x3b: {  	s19 =	simm.s32 $0x3A00;
	v3 =	vadd.s32 v1, v3  }
0x3c: {  	[hbm4b:s5+s2] =	stream.indirect_vreg.scatter [tilespmem:s19], [sflag:$0x3], $0x80, v4, vm0, $0xb8;
	[tilespmem:$0x18200] =	vst v63  }
0x3d: {  	s20 =	simm.s32 $0x4200  }
0x3e: {  	[hbm4b:s6+s2] =	stream.indirect_vreg.scatter [tilespmem:s20], [sflag:$0x3], $0x80, v4, vm0, $0xb8;
	[tilespmem:$0x18200] =	vst v63  }
0x3f: {  	s19 =	simm.s32 $0x4A00  }
0x40: {  	[hbm4b:s3+s2] =	stream.indirect_vreg.scatter [tilespmem:s19], [sflag:$0x3], $0x80, v3, vm0, $0xb8;
	[tilespmem:$0x18200] =	vst v63  }
0x41: {  	s20 =	simm.s32 $0x5200  }
0x42: {  	[hbm4b:s5+s2] =	stream.indirect_vreg.scatter [tilespmem:s20], [sflag:$0x3], $0x80, v3, vm0, $0xb8;
	[tilespmem:$0x18200] =	vst v63  }
0x43: {  	s19 =	simm.s32 $0x5A00  }
0x44: {  	[hbm4b:s6+s2] =	stream.indirect_vreg.scatter [tilespmem:s19], [sflag:$0x3], $0x80, v3, vm0, $0xb8;
	[tilespmem:$0x18200] =	vst v63  }
0x45: {  	v3 =	vld [tilespmem:$0x20];
	_ =	sdelay $0x4  }
0x46: {  	v50 =	vshrl.u32 v3, $0x3  }
0x47: {  	v4 =	vmul.u32 $0x30, v50  }
0x48: {  	v3 =	vand.u32 $0x7, v3  }
0x49: {  	v3 =	vor.u32 v3, v4  }
0x4a: {  	v4 =	vperm.xlane v3, v0;
	_ =	sdelay $0x1  }
0x4b: {  	v4 =	vadd.s32 v1, v4;
	_ =	sdelay $0x3  }
0x4c: {  	s20 =	simm.s32 $0x6200;
	v3 =	vperm.xlane v3, v2  }
0x4d: {  	[hbm4b:s3+s2] =	stream.indirect_vreg.scatter [tilespmem:s20], [sflag:$0x3], $0x80, v4, vm0, $0xb8;
	[tilespmem:$0x18200] =	vst v63  }
0x4e: {  	s19 =	simm.s32 $0x6A00;
	v3 =	vadd.s32 v1, v3  }
0x4f: {  	[hbm4b:s5+s2] =	stream.indirect_vreg.scatter [tilespmem:s19], [sflag:$0x3], $0x80, v4, vm0, $0xb8;
	[tilespmem:$0x18200] =	vst v63  }
0x50: {  	s20 =	simm.s32 $0x7200  }
0x51: {  	[hbm4b:s6+s2] =	stream.indirect_vreg.scatter [tilespmem:s20], [sflag:$0x3], $0x80, v4, vm0, $0xb8;
	[tilespmem:$0x18200] =	vst v63  }
0x52: {  	s19 =	simm.s32 $0x7A00  }
0x53: {  	[hbm4b:s3+s2] =	stream.indirect_vreg.scatter [tilespmem:s19], [sflag:$0x3], $0x80, v3, vm0, $0xb8;
	[tilespmem:$0x18200] =	vst v63  }
0x54: {  	s20 =	simm.s32 $0x8200  }
0x55: {  	[hbm4b:s5+s2] =	stream.indirect_vreg.scatter [tilespmem:s20], [sflag:$0x3], $0x80, v3, vm0, $0xb8;
	[tilespmem:$0x18200] =	vst v63  }
0x56: {  	s19 =	simm.s32 $0x8A00  }
0x57: {  	[hbm4b:s6+s2] =	stream.indirect_vreg.scatter [tilespmem:s19], [sflag:$0x3], $0x80, v3, vm0, $0xb8;
	[tilespmem:$0x18200] =	vst v63  }
0x58: {  	v3 =	vld [tilespmem:$0x30];
	_ =	sdelay $0x4  }
0x59: {  	v51 =	vshrl.u32 v3, $0x3  }
0x5a: {  	v4 =	vmul.u32 $0x30, v51  }
0x5b: {  	v3 =	vand.u32 $0x7, v3  }
0x5c: {  	v3 =	vor.u32 v3, v4  }
0x5d: {  	v4 =	vperm.xlane v3, v0;
	_ =	sdelay $0x1  }
0x5e: {  	v4 =	vadd.s32 v1, v4;
	_ =	sdelay $0x3  }
0x5f: {  	s20 =	simm.s32 $0x9200;
	v3 =	vperm.xlane v3, v2  }
0x60: {  	[hbm4b:s3+s2] =	stream.indirect_vreg.scatter [tilespmem:s20], [sflag:$0x3], $0x80, v4, vm0, $0xb8;
	[tilespmem:$0x18200] =	vst v63  }
0x61: {  	s19 =	simm.s32 $0x9A00;
	v3 =	vadd.s32 v1, v3  }
0x62: {  	[hbm4b:s5+s2] =	stream.indirect_vreg.scatter [tilespmem:s19], [sflag:$0x3], $0x80, v4, vm0, $0xb8;
	[tilespmem:$0x18200] =	vst v63  }
0x63: {  	s20 =	simm.s32 $0xA200  }
0x64: {  	[hbm4b:s6+s2] =	stream.indirect_vreg.scatter [tilespmem:s20], [sflag:$0x3], $0x80, v4, vm0, $0xb8;
	[tilespmem:$0x18200] =	vst v63  }
0x65: {  	s19 =	simm.s32 $0xAA00  }
0x66: {  	[hbm4b:s3+s2] =	stream.indirect_vreg.scatter [tilespmem:s19], [sflag:$0x3], $0x80, v3, vm0, $0xb8;
	[tilespmem:$0x18200] =	vst v63  }
0x67: {  	s20 =	simm.s32 $0xB200  }
0x68: {  	[hbm4b:s5+s2] =	stream.indirect_vreg.scatter [tilespmem:s20], [sflag:$0x3], $0x80, v3, vm0, $0xb8;
	[tilespmem:$0x18200] =	vst v63  }
0x69: {  	s0 =	simm.s32 $0x3;
	s19 =	simm.s32 $0xBA00  }
0x6a: {  	[hbm4b:s6+s2] =	stream.indirect_vreg.scatter [tilespmem:s19], [sflag:$0x3], $0x80, v3, vm0, $0xb8;
	[tilespmem:$0x18200] =	vst v63  }
0x6b: {  	_ =	swait.ge [sflag:s0], $0xC000  }
0x6c: {  	[sflag:s0] =	ssyncset.done $0x0  }
0x6d: {  	s20 =	rddreg [dreg:$0x5];
	[sflag:s0] =	ssyncadd.s32 $0xFFFF4000  }
0x6e: {  	[tilespmem:s10], [sflag:$0x1] =	stream.linear.gather [hbm4b:s20+s2], $0xC000, $0x38;
	[tilespmem:$0x18200] =	vst v63  }
0x6f: {  	_ =	swait.ge [sflag:s18], $0xC000  }
0x70: {  	[sflag:s18] =	ssyncset.done $0x0  }
0x71: {  	[sflag:s18] =	ssyncadd.s32 $0xFFFF4000  }
0x72: {  	v3 =	vld [tilespmem:$0x80];
	_ =	sdelay $0x4  }
0x73: {  	v52 =	vshrl.u32 v3, $0x3  }
0x74: {  	v4 =	vmul.u32 $0x30, v52  }
0x75: {  	v3 =	vand.u32 $0x7, v3  }
0x76: {  	v3 =	vor.u32 v3, v4  }
0x77: {  	v4 =	vperm.xlane v3, v0;
	_ =	sdelay $0x1  }
0x78: {  	v4 =	vadd.s32 v1, v4;
	_ =	sdelay $0x3  }
0x79: {  	v3 =	vperm.xlane v3, v2  }
0x7a: {  	[hbm4b:s3+s2] =	stream.indirect_vreg.scatter [tilespmem:s11], [sflag:$0x4], $0x80, v4, vm0, $0xb8;
	[tilespmem:$0x18200] =	vst v63  }
0x7b: {  	v3 =	vadd.s32 v1, v3  }
0x7c: {  	[hbm4b:s5+s2] =	stream.indirect_vreg.scatter [tilespmem:s4], [sflag:$0x4], $0x80, v4, vm0, $0xb8;
	[tilespmem:$0x18200] =	vst v63  }
0x7d: {  	_ = 	snop  }
0x7e: {  	[hbm4b:s6+s2] =	stream.indirect_vreg.scatter [tilespmem:s8], [sflag:$0x4], $0x80, v4, vm0, $0xb8;
	[tilespmem:$0x18200] =	vst v63  }
0x7f: {  	_ = 	snop  }
0x80: {  	[hbm4b:s3+s2] =	stream.indirect_vreg.scatter [tilespmem:s9], [sflag:$0x4], $0x80, v3, vm0, $0xb8;
	[tilespmem:$0x18200] =	vst v63  }
0x81: {  	_ = 	snop  }
0x82: {  	[hbm4b:s5+s2] =	stream.indirect_vreg.scatter [tilespmem:s12], [sflag:$0x4], $0x80, v3, vm0, $0xb8;
	[tilespmem:$0x18200] =	vst v63  }
0x83: {  	_ = 	snop  }
0x84: {  	[hbm4b:s6+s2] =	stream.indirect_vreg.scatter [tilespmem:s14], [sflag:$0x4], $0x80, v3, vm0, $0xb8;
	[tilespmem:$0x18200] =	vst v63  }
0x85: {  	v3 =	vld [tilespmem:$0x90];
	_ =	sdelay $0x4  }
0x86: {  	v53 =	vshrl.u32 v3, $0x3  }
0x87: {  	v4 =	vmul.u32 $0x30, v53  }
0x88: {  	v3 =	vand.u32 $0x7, v3  }
0x89: {  	v3 =	vor.u32 v3, v4  }
0x8a: {  	v4 =	vperm.xlane v3, v0;
	_ =	sdelay $0x1  }
0x8b: {  	v4 =	vadd.s32 v1, v4;
	_ =	sdelay $0x3  }
0x8c: {  	v3 =	vperm.xlane v3, v2  }
0x8d: {  	[hbm4b:s3+s2] =	stream.indirect_vreg.scatter [tilespmem:s15], [sflag:$0x4], $0x80, v4, vm0, $0xb8;
	[tilespmem:$0x18200] =	vst v63  }
0x8e: {  	v3 =	vadd.s32 v1, v3  }
0x8f: {  	[hbm4b:s5+s2] =	stream.indirect_vreg.scatter [tilespmem:s16], [sflag:$0x4], $0x80, v4, vm0, $0xb8;
	[tilespmem:$0x18200] =	vst v63  }
0x90: {  	_ = 	snop  }
0x91: {  	[hbm4b:s6+s2] =	stream.indirect_vreg.scatter [tilespmem:s17], [sflag:$0x4], $0x80, v4, vm0, $0xb8;
	[tilespmem:$0x18200] =	vst v63  }
0x92: {  	s20 =	simm.s32 $0x10A00  }
0x93: {  	[hbm4b:s3+s2] =	stream.indirect_vreg.scatter [tilespmem:s20], [sflag:$0x4], $0x80, v3, vm0, $0xb8;
	[tilespmem:$0x18200] =	vst v63  }
0x94: {  	_ = 	snop  }
0x95: {  	[hbm4b:s5+s2] =	stream.indirect_vreg.scatter [tilespmem:s21], [sflag:$0x4], $0x80, v3, vm0, $0xb8;
	[tilespmem:$0x18200] =	vst v63  }
0x96: {  	_ = 	snop  }
0x97: {  	[hbm4b:s6+s2] =	stream.indirect_vreg.scatter [tilespmem:s22], [sflag:$0x4], $0x80, v3, vm0, $0xb8;
	[tilespmem:$0x18200] =	vst v63  }
0x98: {  	v3 =	vld [tilespmem:$0xA0];
	_ =	sdelay $0x4  }
0x99: {  	v54 =	vshrl.u32 v3, $0x3  }
0x9a: {  	v4 =	vmul.u32 $0x30, v54  }
0x9b: {  	v3 =	vand.u32 $0x7, v3  }
0x9c: {  	v3 =	vor.u32 v3, v4  }
0x9d: {  	v4 =	vperm.xlane v3, v0;
	_ =	sdelay $0x1  }
0x9e: {  	v4 =	vadd.s32 v1, v4;
	_ =	sdelay $0x3  }
0x9f: {  	v3 =	vperm.xlane v3, v2  }
0xa0: {  	[hbm4b:s3+s2] =	stream.indirect_vreg.scatter [tilespmem:s23], [sflag:$0x4], $0x80, v4, vm0, $0xb8;
	[tilespmem:$0x18200] =	vst v63  }
0xa1: {  	v3 =	vadd.s32 v1, v3  }
0xa2: {  	[hbm4b:s5+s2] =	stream.indirect_vreg.scatter [tilespmem:s24], [sflag:$0x4], $0x80, v4, vm0, $0xb8;
	[tilespmem:$0x18200] =	vst v63  }
0xa3: {  	_ = 	snop  }
0xa4: {  	[hbm4b:s6+s2] =	stream.indirect_vreg.scatter [tilespmem:s25], [sflag:$0x4], $0x80, v4, vm0, $0xb8;
	[tilespmem:$0x18200] =	vst v63  }
0xa5: {  	_ = 	snop  }
0xa6: {  	[hbm4b:s3+s2] =	stream.indirect_vreg.scatter [tilespmem:s26], [sflag:$0x4], $0x80, v3, vm0, $0xb8;
	[tilespmem:$0x18200] =	vst v63  }
0xa7: {  	_ = 	snop  }
0xa8: {  	[hbm4b:s5+s2] =	stream.indirect_vreg.scatter [tilespmem:s28], [sflag:$0x4], $0x80, v3, vm0, $0xb8;
	[tilespmem:$0x18200] =	vst v63  }
0xa9: {  	_ = 	snop  }
0xaa: {  	[hbm4b:s6+s2] =	stream.indirect_vreg.scatter [tilespmem:s29], [sflag:$0x4], $0x80, v3, vm0, $0xb8;
	[tilespmem:$0x18200] =	vst v63  }
0xab: {  	v3 =	vld [tilespmem:$0xB0];
	_ =	sdelay $0x4  }
0xac: {  	v55 =	vshrl.u32 v3, $0x3  }
0xad: {  	v4 =	vmul.u32 $0x30, v55  }
0xae: {  	v3 =	vand.u32 $0x7, v3  }
0xaf: {  	v3 =	vor.u32 v3, v4  }
0xb0: {  	v4 =	vperm.xlane v3, v0;
	_ =	sdelay $0x1  }
0xb1: {  	v4 =	vadd.s32 v1, v4;
	_ =	sdelay $0x3  }
0xb2: {  	v3 =	vperm.xlane v3, v2  }
0xb3: {  	[hbm4b:s3+s2] =	stream.indirect_vreg.scatter [tilespmem:s30], [sflag:$0x4], $0x80, v4, vm0, $0xb8;
	[tilespmem:$0x18200] =	vst v63  }
0xb4: {  	v3 =	vadd.s32 v1, v3  }
0xb5: {  	[hbm4b:s5+s2] =	stream.indirect_vreg.scatter [tilespmem:s31], [sflag:$0x4], $0x80, v4, vm0, $0xb8;
	[tilespmem:$0x18200] =	vst v63  }
0xb6: {  	s19 =	simm.s32 $0x16200  }
0xb7: {  	[hbm4b:s6+s2] =	stream.indirect_vreg.scatter [tilespmem:s19], [sflag:$0x4], $0x80, v4, vm0, $0xb8;
	[tilespmem:$0x18200] =	vst v63  }
0xb8: {  	s19 =	simm.s32 $0x16A00  }
0xb9: {  	[hbm4b:s3+s2] =	stream.indirect_vreg.scatter [tilespmem:s19], [sflag:$0x4], $0x80, v3, vm0, $0xb8;
	[tilespmem:$0x18200] =	vst v63  }
0xba: {  	s19 =	simm.s32 $0x17200  }
0xbb: {  	[hbm4b:s5+s2] =	stream.indirect_vreg.scatter [tilespmem:s19], [sflag:$0x4], $0x80, v3, vm0, $0xb8;
	[tilespmem:$0x18200] =	vst v63  }
0xbc: {  	s19 =	simm.s32 $0x17A00  }
0xbd: {  	[hbm4b:s6+s2] =	stream.indirect_vreg.scatter [tilespmem:s19], [sflag:$0x4], $0x80, v3, vm0, $0xb8;
	[tilespmem:$0x18200] =	vst v63  }
0xbe: {  	_ =	swait.ge [sflag:s1], $0xC000  }
0xbf: {  	[sflag:s1] =	ssyncset.done $0x0  }
0xc0: {  	s19 =	rddreg [dreg:$0x6];
	[sflag:s1] =	ssyncadd.s32 $0xFFFF4000  }
0xc1: {  	[tilespmem:s11], [sflag:$0x2] =	stream.linear.gather [hbm4b:s19+s2], $0xC000, $0x38;
	[tilespmem:$0x18200] =	vst v63  }
0xc2: {  	_ =	swait.ge [sflag:s13], $0xC000  }
0xc3: {  	[sflag:s13] =	ssyncset.done $0x0  }
0xc4: {  	[sflag:s13] =	ssyncadd.s32 $0xFFFF4000  }
0xc5: {  	v3 =	vld [tilespmem:$0x100];
	_ =	sdelay $0x4  }
0xc6: {  	v56 =	vshrl.u32 v3, $0x3  }
0xc7: {  	v4 =	vmul.u32 $0x30, v56  }
0xc8: {  	v3 =	vand.u32 $0x7, v3  }
0xc9: {  	v3 =	vor.u32 v3, v4  }
0xca: {  	v4 =	vperm.xlane v3, v0;
	_ =	sdelay $0x1  }
0xcb: {  	v4 =	vadd.s32 v1, v4;
	_ =	sdelay $0x3  }
0xcc: {  	v3 =	vperm.xlane v3, v2  }
0xcd: {  	[hbm4b:s3+s2] =	stream.indirect_vreg.scatter [tilespmem:s10], [sflag:$0x3], $0x80, v4, vm0, $0xb8;
	[tilespmem:$0x18200] =	vst v63  }
0xce: {  	s19 =	simm.s32 $0xA00;
	v3 =	vadd.s32 v1, v3  }
0xcf: {  	[hbm4b:s5+s2] =	stream.indirect_vreg.scatter [tilespmem:s19], [sflag:$0x3], $0x80, v4, vm0, $0xb8;
	[tilespmem:$0x18200] =	vst v63  }
0xd0: {  	s19 =	simm.s32 $0x1200  }
0xd1: {  	[hbm4b:s6+s2] =	stream.indirect_vreg.scatter [tilespmem:s19], [sflag:$0x3], $0x80, v4, vm0, $0xb8;
	[tilespmem:$0x18200] =	vst v63  }
0xd2: {  	s19 =	simm.s32 $0x1A00  }
0xd3: {  	[hbm4b:s3+s2] =	stream.indirect_vreg.scatter [tilespmem:s19], [sflag:$0x3], $0x80, v3, vm0, $0xb8;
	[tilespmem:$0x18200] =	vst v63  }
0xd4: {  	s19 =	simm.s32 $0x2200  }
0xd5: {  	[hbm4b:s5+s2] =	stream.indirect_vreg.scatter [tilespmem:s19], [sflag:$0x3], $0x80, v3, vm0, $0xb8;
	[tilespmem:$0x18200] =	vst v63  }
0xd6: {  	s19 =	simm.s32 $0x2A00  }
0xd7: {  	[hbm4b:s6+s2] =	stream.indirect_vreg.scatter [tilespmem:s19], [sflag:$0x3], $0x80, v3, vm0, $0xb8;
	[tilespmem:$0x18200] =	vst v63  }
0xd8: {  	v3 =	vld [tilespmem:$0x110];
	_ =	sdelay $0x4  }
0xd9: {  	v57 =	vshrl.u32 v3, $0x3  }
0xda: {  	v4 =	vmul.u32 $0x30, v57  }
0xdb: {  	v3 =	vand.u32 $0x7, v3  }
0xdc: {  	v3 =	vor.u32 v3, v4  }
0xdd: {  	v4 =	vperm.xlane v3, v0;
	_ =	sdelay $0x1  }
0xde: {  	v4 =	vadd.s32 v1, v4;
	_ =	sdelay $0x3  }
0xdf: {  	s19 =	simm.s32 $0x3200;
	v3 =	vperm.xlane v3, v2  }
0xe0: {  	[hbm4b:s3+s2] =	stream.indirect_vreg.scatter [tilespmem:s19], [sflag:$0x3], $0x80, v4, vm0, $0xb8;
	[tilespmem:$0x18200] =	vst v63  }
0xe1: {  	v3 =	vadd.s32 v1, v3;
	s19 =	simm.s32 $0x3A00  }
0xe2: {  	[hbm4b:s5+s2] =	stream.indirect_vreg.scatter [tilespmem:s19], [sflag:$0x3], $0x80, v4, vm0, $0xb8;
	[tilespmem:$0x18200] =	vst v63  }
0xe3: {  	s19 =	simm.s32 $0x4200  }
0xe4: {  	[hbm4b:s6+s2] =	stream.indirect_vreg.scatter [tilespmem:s19], [sflag:$0x3], $0x80, v4, vm0, $0xb8;
	[tilespmem:$0x18200] =	vst v63  }
0xe5: {  	s19 =	simm.s32 $0x4A00  }
0xe6: {  	[hbm4b:s3+s2] =	stream.indirect_vreg.scatter [tilespmem:s19], [sflag:$0x3], $0x80, v3, vm0, $0xb8;
	[tilespmem:$0x18200] =	vst v63  }
0xe7: {  	s19 =	simm.s32 $0x5200  }
0xe8: {  	[hbm4b:s5+s2] =	stream.indirect_vreg.scatter [tilespmem:s19], [sflag:$0x3], $0x80, v3, vm0, $0xb8;
	[tilespmem:$0x18200] =	vst v63  }
0xe9: {  	s19 =	simm.s32 $0x5A00  }
0xea: {  	[hbm4b:s6+s2] =	stream.indirect_vreg.scatter [tilespmem:s19], [sflag:$0x3], $0x80, v3, vm0, $0xb8;
	[tilespmem:$0x18200] =	vst v63  }
0xeb: {  	v3 =	vld [tilespmem:$0x120];
	_ =	sdelay $0x4  }
0xec: {  	v58 =	vshrl.u32 v3, $0x3  }
0xed: {  	v4 =	vmul.u32 $0x30, v58  }
0xee: {  	v3 =	vand.u32 $0x7, v3  }
0xef: {  	v3 =	vor.u32 v3, v4  }
0xf0: {  	v4 =	vperm.xlane v3, v0;
	_ =	sdelay $0x1  }
0xf1: {  	v4 =	vadd.s32 v1, v4;
	_ =	sdelay $0x3  }
0xf2: {  	s19 =	simm.s32 $0x6200;
	v3 =	vperm.xlane v3, v2  }
0xf3: {  	[hbm4b:s3+s2] =	stream.indirect_vreg.scatter [tilespmem:s19], [sflag:$0x3], $0x80, v4, vm0, $0xb8;
	[tilespmem:$0x18200] =	vst v63  }
0xf4: {  	v3 =	vadd.s32 v1, v3;
	s19 =	simm.s32 $0x6A00  }
0xf5: {  	[hbm4b:s5+s2] =	stream.indirect_vreg.scatter [tilespmem:s19], [sflag:$0x3], $0x80, v4, vm0, $0xb8;
	[tilespmem:$0x18200] =	vst v63  }
0xf6: {  	s19 =	simm.s32 $0x7200  }
0xf7: {  	[hbm4b:s6+s2] =	stream.indirect_vreg.scatter [tilespmem:s19], [sflag:$0x3], $0x80, v4, vm0, $0xb8;
	[tilespmem:$0x18200] =	vst v63  }
0xf8: {  	s19 =	simm.s32 $0x7A00  }
0xf9: {  	[hbm4b:s3+s2] =	stream.indirect_vreg.scatter [tilespmem:s19], [sflag:$0x3], $0x80, v3, vm0, $0xb8;
	[tilespmem:$0x18200] =	vst v63  }
0xfa: {  	s19 =	simm.s32 $0x8200  }
0xfb: {  	[hbm4b:s5+s2] =	stream.indirect_vreg.scatter [tilespmem:s19], [sflag:$0x3], $0x80, v3, vm0, $0xb8;
	[tilespmem:$0x18200] =	vst v63  }
0xfc: {  	s19 =	simm.s32 $0x8A00  }
0xfd: {  	[hbm4b:s6+s2] =	stream.indirect_vreg.scatter [tilespmem:s19], [sflag:$0x3], $0x80, v3, vm0, $0xb8;
	[tilespmem:$0x18200] =	vst v63  }
0xfe: {  	v3 =	vld [tilespmem:$0x130];
	_ =	sdelay $0x4  }
0xff: {  	v59 =	vshrl.u32 v3, $0x3  }
0x100: {  	v4 =	vmul.u32 $0x30, v59  }
0x101: {  	v3 =	vand.u32 $0x7, v3  }
0x102: {  	v3 =	vor.u32 v3, v4  }
0x103: {  	v4 =	vperm.xlane v3, v0;
	_ =	sdelay $0x1  }
0x104: {  	v4 =	vadd.s32 v1, v4;
	_ =	sdelay $0x3  }
0x105: {  	s19 =	simm.s32 $0x9200;
	v3 =	vperm.xlane v3, v2  }
0x106: {  	[hbm4b:s3+s2] =	stream.indirect_vreg.scatter [tilespmem:s19], [sflag:$0x3], $0x80, v4, vm0, $0xb8;
	[tilespmem:$0x18200] =	vst v63  }
0x107: {  	v3 =	vadd.s32 v1, v3;
	s19 =	simm.s32 $0x9A00  }
0x108: {  	[hbm4b:s5+s2] =	stream.indirect_vreg.scatter [tilespmem:s19], [sflag:$0x3], $0x80, v4, vm0, $0xb8;
	[tilespmem:$0x18200] =	vst v63  }
0x109: {  	s19 =	simm.s32 $0xA200  }
0x10a: {  	[hbm4b:s6+s2] =	stream.indirect_vreg.scatter [tilespmem:s19], [sflag:$0x3], $0x80, v4, vm0, $0xb8;
	[tilespmem:$0x18200] =	vst v63  }
0x10b: {  	s19 =	simm.s32 $0xAA00  }
0x10c: {  	[hbm4b:s3+s2] =	stream.indirect_vreg.scatter [tilespmem:s19], [sflag:$0x3], $0x80, v3, vm0, $0xb8;
	[tilespmem:$0x18200] =	vst v63  }
0x10d: {  	s19 =	simm.s32 $0xB200  }
0x10e: {  	[hbm4b:s5+s2] =	stream.indirect_vreg.scatter [tilespmem:s19], [sflag:$0x3], $0x80, v3, vm0, $0xb8;
	[tilespmem:$0x18200] =	vst v63  }
0x10f: {  	s19 =	simm.s32 $0xBA00  }
0x110: {  	[hbm4b:s6+s2] =	stream.indirect_vreg.scatter [tilespmem:s19], [sflag:$0x3], $0x80, v3, vm0, $0xb8;
	[tilespmem:$0x18200] =	vst v63  }
0x111: {  	_ =	swait.ge [sflag:s0], $0xC000  }
0x112: {  	[sflag:s0] =	ssyncset.done $0x0  }
0x113: {  	[sflag:s0] =	ssyncadd.s32 $0xFFFF4000  }
0x114: {  	_ =	swait.ge [sflag:s18], $0xC000  }
0x115: {  	[sflag:s18] =	ssyncset.done $0x0  }
0x116: {  	[sflag:s18] =	ssyncadd.s32 $0xFFFF4000  }
0x117: {  	v3 =	vld [tilespmem:$0x180];
	_ =	sdelay $0x4  }
0x118: {  	v60 =	vshrl.u32 v3, $0x3  }
0x119: {  	v4 =	vmul.u32 $0x30, v60  }
0x11a: {  	v3 =	vand.u32 $0x7, v3  }
0x11b: {  	v3 =	vor.u32 v3, v4  }
0x11c: {  	v4 =	vperm.xlane v3, v0;
	_ =	sdelay $0x1  }
0x11d: {  	v4 =	vadd.s32 v1, v4;
	_ =	sdelay $0x3  }
0x11e: {  	v3 =	vperm.xlane v3, v2  }
0x11f: {  	[hbm4b:s3+s2] =	stream.indirect_vreg.scatter [tilespmem:s11], [sflag:$0x4], $0x80, v4, vm0, $0xb8;
	[tilespmem:$0x18200] =	vst v63  }
0x120: {  	v3 =	vadd.s32 v1, v3  }
0x121: {  	[hbm4b:s5+s2] =	stream.indirect_vreg.scatter [tilespmem:s4], [sflag:$0x4], $0x80, v4, vm0, $0xb8;
	[tilespmem:$0x18200] =	vst v63  }
0x122: {  	_ = 	snop  }
0x123: {  	[hbm4b:s6+s2] =	stream.indirect_vreg.scatter [tilespmem:s8], [sflag:$0x4], $0x80, v4, vm0, $0xb8;
	[tilespmem:$0x18200] =	vst v63  }
0x124: {  	_ = 	snop  }
0x125: {  	[hbm4b:s3+s2] =	stream.indirect_vreg.scatter [tilespmem:s9], [sflag:$0x4], $0x80, v3, vm0, $0xb8;
	[tilespmem:$0x18200] =	vst v63  }
0x126: {  	_ = 	snop  }
0x127: {  	[hbm4b:s5+s2] =	stream.indirect_vreg.scatter [tilespmem:s12], [sflag:$0x4], $0x80, v3, vm0, $0xb8;
	[tilespmem:$0x18200] =	vst v63  }
0x128: {  	_ = 	snop  }
0x129: {  	[hbm4b:s6+s2] =	stream.indirect_vreg.scatter [tilespmem:s14], [sflag:$0x4], $0x80, v3, vm0, $0xb8;
	[tilespmem:$0x18200] =	vst v63  }
0x12a: {  	v3 =	vld [tilespmem:$0x190];
	_ =	sdelay $0x4  }
0x12b: {  	v61 =	vshrl.u32 v3, $0x3  }
0x12c: {  	v4 =	vmul.u32 $0x30, v61  }
0x12d: {  	v3 =	vand.u32 $0x7, v3  }
0x12e: {  	v3 =	vor.u32 v3, v4  }
0x12f: {  	v4 =	vperm.xlane v3, v0;
	_ =	sdelay $0x1  }
0x130: {  	v4 =	vadd.s32 v1, v4;
	_ =	sdelay $0x3  }
0x131: {  	v3 =	vperm.xlane v3, v2  }
0x132: {  	[hbm4b:s3+s2] =	stream.indirect_vreg.scatter [tilespmem:s15], [sflag:$0x4], $0x80, v4, vm0, $0xb8;
	[tilespmem:$0x18200] =	vst v63  }
0x133: {  	v3 =	vadd.s32 v1, v3  }
0x134: {  	[hbm4b:s5+s2] =	stream.indirect_vreg.scatter [tilespmem:s16], [sflag:$0x4], $0x80, v4, vm0, $0xb8;
	[tilespmem:$0x18200] =	vst v63  }
0x135: {  	_ = 	snop  }
0x136: {  	[hbm4b:s6+s2] =	stream.indirect_vreg.scatter [tilespmem:s17], [sflag:$0x4], $0x80, v4, vm0, $0xb8;
	[tilespmem:$0x18200] =	vst v63  }
0x137: {  	_ = 	snop  }
0x138: {  	[hbm4b:s3+s2] =	stream.indirect_vreg.scatter [tilespmem:s20], [sflag:$0x4], $0x80, v3, vm0, $0xb8;
	[tilespmem:$0x18200] =	vst v63  }
0x139: {  	_ = 	snop  }
0x13a: {  	[hbm4b:s5+s2] =	stream.indirect_vreg.scatter [tilespmem:s21], [sflag:$0x4], $0x80, v3, vm0, $0xb8;
	[tilespmem:$0x18200] =	vst v63  }
0x13b: {  	_ = 	snop  }
0x13c: {  	[hbm4b:s6+s2] =	stream.indirect_vreg.scatter [tilespmem:s22], [sflag:$0x4], $0x80, v3, vm0, $0xb8;
	[tilespmem:$0x18200] =	vst v63  }
0x13d: {  	v3 =	vld [tilespmem:$0x1A0];
	_ =	sdelay $0x4  }
0x13e: {  	v62 =	vshrl.u32 v3, $0x3  }
0x13f: {  	v4 =	vmul.u32 $0x30, v62  }
0x140: {  	v3 =	vand.u32 $0x7, v3  }
0x141: {  	v3 =	vor.u32 v3, v4  }
0x142: {  	v4 =	vperm.xlane v3, v0;
	_ =	sdelay $0x1  }
0x143: {  	v4 =	vadd.s32 v1, v4;
	_ =	sdelay $0x3  }
0x144: {  	v3 =	vperm.xlane v3, v2  }
0x145: {  	[hbm4b:s3+s2] =	stream.indirect_vreg.scatter [tilespmem:s23], [sflag:$0x4], $0x80, v4, vm0, $0xb8;
	[tilespmem:$0x18200] =	vst v63  }
0x146: {  	v3 =	vadd.s32 v1, v3  }
0x147: {  	[hbm4b:s5+s2] =	stream.indirect_vreg.scatter [tilespmem:s24], [sflag:$0x4], $0x80, v4, vm0, $0xb8;
	[tilespmem:$0x18200] =	vst v63  }
0x148: {  	_ = 	snop  }
0x149: {  	[hbm4b:s6+s2] =	stream.indirect_vreg.scatter [tilespmem:s25], [sflag:$0x4], $0x80, v4, vm0, $0xb8;
	[tilespmem:$0x18200] =	vst v63  }
0x14a: {  	_ = 	snop  }
0x14b: {  	[hbm4b:s3+s2] =	stream.indirect_vreg.scatter [tilespmem:s26], [sflag:$0x4], $0x80, v3, vm0, $0xb8;
	[tilespmem:$0x18200] =	vst v63  }
0x14c: {  	_ = 	snop  }
0x14d: {  	[hbm4b:s5+s2] =	stream.indirect_vreg.scatter [tilespmem:s28], [sflag:$0x4], $0x80, v3, vm0, $0xb8;
	[tilespmem:$0x18200] =	vst v63  }
0x14e: {  	_ = 	snop  }
0x14f: {  	[hbm4b:s6+s2] =	stream.indirect_vreg.scatter [tilespmem:s29], [sflag:$0x4], $0x80, v3, vm0, $0xb8;
	[tilespmem:$0x18200] =	vst v63  }
0x150: {  	v3 =	vld [tilespmem:$0x1B0];
	_ =	sdelay $0x4  }
0x151: {  	v63 =	vshrl.u32 v3, $0x3  }
0x152: {  	v4 =	vmul.u32 $0x30, v63  }
0x153: {  	v3 =	vand.u32 $0x7, v3  }
0x154: {  	v3 =	vor.u32 v3, v4  }
0x155: {  	v4 =	vperm.xlane v3, v0;
	_ =	sdelay $0x1  }
0x156: {  	v4 =	vadd.s32 v1, v4;
	_ =	sdelay $0x3  }
0x157: {  	v3 =	vperm.xlane v3, v2  }
0x158: {  	[hbm4b:s3+s2] =	stream.indirect_vreg.scatter [tilespmem:s30], [sflag:$0x4], $0x80, v4, vm0, $0xb8;
	[tilespmem:$0x18200] =	vst v63  }
0x159: {  	v3 =	vadd.s32 v1, v3  }
0x15a: {  	[hbm4b:s5+s2] =	stream.indirect_vreg.scatter [tilespmem:s31], [sflag:$0x4], $0x80, v4, vm0, $0xb8;
	[tilespmem:$0x18200] =	vst v63  }
0x15b: {  	s20 =	simm.s32 $0x16200  }
0x15c: {  	[hbm4b:s6+s2] =	stream.indirect_vreg.scatter [tilespmem:s20], [sflag:$0x4], $0x80, v4, vm0, $0xb8;
	[tilespmem:$0x18200] =	vst v63  }
0x15d: {  	s10 =	simm.s32 $0x16A00  }
0x15e: {  	[hbm4b:s3+s2] =	stream.indirect_vreg.scatter [tilespmem:s10], [sflag:$0x4], $0x80, v3, vm0, $0xb8;
	[tilespmem:$0x18200] =	vst v63  }
0x15f: {  	p0 =	sne.s32 s7, $0x1;
	s19 =	simm.s32 $0x17200  }
0x160: {  	[hbm4b:s5+s2] =	stream.indirect_vreg.scatter [tilespmem:s19], [sflag:$0x4], $0x80, v3, vm0, $0xb8;
	[tilespmem:$0x18200] =	vst v63  }
.Ltmp0:
0x161: {  	s20 =	simm.s32 $0x17A00;
	(pc) =	sbr.rel @p0 .LBB2_1-.Ltmp0, $4  }
0x162: {  	[hbm4b:s6+s2] =	stream.indirect_vreg.scatter [tilespmem:s20], [sflag:$0x4], $0x80, v3, vm0, $0xb8;
	[tilespmem:$0x18200] =	vst v63  }
0x163: {  	_ =	swait.ge [sflag:s1], $0xC000  }
0x164: {  	[sflag:s1] =	ssyncset.done $0x0  }
0x165: {  	s7 =	sadd.s32 $0xFFFFFFFF, s7;
	[sflag:s1] =	ssyncadd.s32 $0xFFFF4000  }
0x166: {  	_ =	sfence.sel $0x180000  }
0x167: {  	[bflag:$0x0] =	sbarrier.arrive $0xFFFF  }
0x168: {  	_ =	strace $0x90000047  }
0x169: {  	s0 =	stileid.u32;
	[bflag:$0x2] =	sbarrier.arrive $0xFFFF  }
0x16a: {  	p0 =	sne.s32 s0, $0x0;
	s0 =	rddreg [dreg:$0x2]  }
0x16b: {  	s0 =	sadd.s32 @!p0 $0x100000, s0  }
0x16c: {  	[sflag:s0] =	ssyncadd.tile.s32 @!p0 $0x1;
	_ =	shalt  }
.Lfunc_end2:
_tile_overlayer_lowered:
.L_overlay_start_2:
0x16d: {  	(tag) =	ssettag $0x2  }
0x16e: {  	s0 =	rddreg [dreg:$0x0];
	s2 =	stileid.u32  }
0x16f: {  	s1 =	rddreg [dreg:$0x1];
	p0 =	sne.s32 s2, $0x0  }
0x170: {  	s3 =	rddreg [dreg:$0x2];
	[bflag:$0x3] =	sbarrier.arrive $0xFFFF;
	s2 =	simm.s32 @!p0 $0x1C05  }
0x171: {  	[timem:s3], [sflag:s2] =	dma.local @!p0 [hbm:s0], s1  }
0x172: {  	s0 =	simm.s32 @!p0 $0x5  }
0x173: {  	_ =	swait.ge @!p0 [sflag:s0], s1  }
0x174: {  	s1 =	ssub.s32 @!p0 $0x0, s1;
	[sflag:s0] =	ssyncset.done @!p0 $0x0  }
0x175: {  	[sflag:s0] =	ssyncadd.s32 @!p0 s1  }
0x176: {  	[bflag:$0x3] =	sbarrier.arrive $0xFFFF  }
0x177: {  	_ =	shalt  }

// kernel: kernel.8.cloned.1.call-start
scs
__scs_entry_jumppad:
0x0: {  	(pc) =	sbr.rel $0x88, $3  }
0x1: {  	(tag) =	ssettag $0x0;
	lr =	simm.s32 $0x1  }
0x2: {  	[smem:$0x3F9C] =	sst lr;
	_ =	strace $0xD0000000  }
0x3: {  	_ = 	snop  }
0x4: {  	_ = 	snop  }
0x5: {  	_ = 	snop  }
0x6: {  	_ = 	snop  }
0x7: {  	_ = 	snop  }
__scs_overlays_trampoline_lowered:
0x8: {  	[smem:$0x3FAB] =	sst s0  }
0x9: {  	[smem:$0x3FAC] =	sst s1  }
0xa: {  	[smem:$0x3FAD] =	sst s2  }
0xb: {  	[smem:$0x3FAE] =	sst s3  }
0xc: {  	[smem:$0x3FAF] =	sst s4  }
0xd: {  	[smem:$0x3FB0] =	sst s5  }
0xe: {  	[smem:$0x3FB1] =	sst s6  }
0xf: {  	[smem:$0x3FB2] =	sst s7  }
0x10: {  	[smem:$0x3FB3] =	sst s8  }
0x11: {  	[smem:$0x3FB4] =	sst s9;
	s0 =	simm.s32 @!p0 $0x0  }
0x12: {  	s1 =	sld [smem:$0x3F9A];
	s0 =	simm.s32 @p0 $0x1  }
0x13: {  	[smem:$0x3FB5] =	sst s0;
	s0 =	simm.s32 @!p1 $0x0  }
0x14: {  	s2 =	sld [smem:$0x3F99];
	s0 =	simm.s32 @p1 $0x1  }
0x15: {  	[smem:$0x3FB6] =	sst s0;
	s0 =	simm.s32 @!p2 $0x0  }
0x16: {  	s3 =	sld [smem:$0x3FDB];
	s0 =	simm.s32 @p2 $0x1  }
0x17: {  	s4 =	simm.s32 $0x1BF5;
	[smem:$0x3FB8] =	sst s0  }
0x18: {  	s0 =	sld [smem:$0x3F9B];
	_ =	swait.ge [sflag:s4], $0x0  }
0x19: {  	s7 =	sld [smem:$0x3F9C]  }
0x1a: {  	s8 =	sadd.s32 $0xFFFFE003, lr  }
0x1b: {  	s9 =	sadd.s32 $0xFFFFFEF7, lr;
	s5 =	simm.s32 $0xFFFFFFFF;
	p2 =	slt.u32 s8, $0xFFFFF086  }
0x1c: {  	p1 =	slt.u32 s9, $0xF7A;
	s5 =	simm.s32 @!p2 $0x0  }
0x1d: {  	s5 =	simm.s32 @p1 $0x1;
	p0 =	seq.s32 s7, s2  }
0x1e: {  	s7 =	smul.u32 @!p0 $0xF7A, s2;
	p2 =	seq.s32 @!p0 s5, $0x0  }
0x1f: {  	s9 =	smul.u32 $0xF7A, s1;
	s8 =	simm.s32 @!p0 $0x1BF5;
	p2 =	por !p2, p0  }
0x20: {  	[sflag:s8] =	ssyncset.s32 @!p0 $0xFFFFF086;
	s6 =	sadd.s32 @!p0 s3, s7;
	s7 =	simm.s32 @!p0 $0x108  }
0x21: {  	s3 =	sadd.s32 s3, s9;
	s6 =	sadd.s32 @!p0 $0x88, s6;
	s7 =	simm.s32 @p2 $0x1082  }
0x22: {  	[simem:s7], [sflag:s8] =	dma.local @!p0 [hbm:s6], $0xF7A  }
0x23: {  	s9 =	sor.u32 $0xD0000000, s2;
	s6 =	simm.s32 $0x108;
	_ =	swait.ge @!p0 [sflag:s8], $0x0  }
0x24: {  	s3 =	sadd.s32 $0x88, s3;
	s6 =	simm.s32 @!p1 $0x1082;
	[sflag:s4] =	ssyncset.s32 $0xFFFFF086  }
0x25: {  	[simem:s6], [sflag:s4] =	dma.local [hbm:s3], $0xF7A  }
0x26: {  	[smem:$0x3F9C] =	sst s1;
	(tag) =	ssettag s2;
	_ =	strace s9  }
0x27: {  	s1 =	sld [smem:$0x3FAC]  }
0x28: {  	s2 =	sld [smem:$0x3FAD]  }
0x29: {  	s4 =	sld [smem:$0x3FAF]  }
0x2a: {  	p0 =	seq.s32 s5, $0x0;
	s5 =	sld [smem:$0x3FB0]  }
0x2b: {  	s6 =	sld [smem:$0x3FB1]  }
0x2c: {  	s7 =	sld [smem:$0x3FB2]  }
0x2d: {  	s3 =	simm.s32 $0x108;
	s8 =	sld [smem:$0x3FB3]  }
0x2e: {  	s3 =	simm.s32 @!p0 $0x1082;
	s9 =	sld [smem:$0x3FB4]  }
0x2f: {  	lr =	sadd.s32 s0, s3;
	s0 =	sld [smem:$0x3FAB]  }
0x30: {  	s3 =	sld [smem:$0x3FAE]  }
0x31: {  	[smem:$0x3FB7] =	sst s10  }
0x32: {  	s10 =	sld [smem:$0x3FB5];
	_ =	sdelay $0x3  }
0x33: {  	p0 =	seq.s32 s10, $0x1;
	s10 =	sld [smem:$0x3FB7];
	_ =	sdelay $0x3  }
0x34: {  	[smem:$0x3FB7] =	sst s10  }
0x35: {  	s10 =	sld [smem:$0x3FB6];
	_ =	sdelay $0x3  }
0x36: {  	p1 =	seq.s32 s10, $0x1;
	s10 =	sld [smem:$0x3FB7];
	_ =	sdelay $0x3  }
0x37: {  	[smem:$0x3FB7] =	sst s10  }
0x38: {  	s10 =	sld [smem:$0x3FB8]  }
0x39: {  	_ = 	snop;
	(pc) =	sbr.ind lr, $3  }
0x3a: {  	_ = 	snop  }
0x3b: {  	_ = 	snop  }
0x3c: {  	p2 =	seq.s32 s10, $0x1;
	s10 =	sld [smem:$0x3FB7]  }
0x3d: {  	_ =	shalt  }
0x3e: {  	_ =	shalt  }
0x3f: {  	_ =	shalt  }
0x40: {  	_ =	shalt  }
0x41: {  	_ =	shalt  }
0x42: {  	_ =	shalt  }
0x43: {  	_ =	shalt  }
0x44: {  	_ =	shalt  }
0x45: {  	_ =	shalt  }
0x46: {  	_ =	shalt  }
0x47: {  	_ =	shalt  }
0x48: {  	_ =	shalt  }
0x49: {  	_ =	shalt  }
0x4a: {  	_ =	shalt  }
0x4b: {  	_ =	shalt  }
0x4c: {  	_ =	shalt  }
0x4d: {  	_ =	shalt  }
0x4e: {  	_ =	shalt  }
0x4f: {  	_ =	shalt  }
0x50: {  	_ =	shalt  }
0x51: {  	_ =	shalt  }
0x52: {  	_ =	shalt  }
0x53: {  	_ =	shalt  }
0x54: {  	_ =	shalt  }
0x55: {  	_ =	shalt  }
0x56: {  	_ =	shalt  }
0x57: {  	_ =	shalt  }
0x58: {  	_ =	shalt  }
0x59: {  	_ =	shalt  }
0x5a: {  	_ =	shalt  }
0x5b: {  	_ =	shalt  }
0x5c: {  	_ =	shalt  }
0x5d: {  	_ =	shalt  }
0x5e: {  	_ =	shalt  }
0x5f: {  	_ =	shalt  }
0x60: {  	_ =	shalt  }
0x61: {  	_ =	shalt  }
0x62: {  	_ =	shalt  }
0x63: {  	_ =	shalt  }
0x64: {  	_ =	shalt  }
0x65: {  	_ =	shalt  }
0x66: {  	_ =	shalt  }
0x67: {  	_ =	shalt  }
0x68: {  	_ =	shalt  }
0x69: {  	_ =	shalt  }
0x6a: {  	_ =	shalt  }
0x6b: {  	_ =	shalt  }
0x6c: {  	_ =	shalt  }
0x6d: {  	_ =	shalt  }
0x6e: {  	_ =	shalt  }
0x6f: {  	_ =	shalt  }
0x70: {  	_ =	shalt  }
0x71: {  	_ =	shalt  }
0x72: {  	_ =	shalt  }
0x73: {  	_ =	shalt  }
0x74: {  	_ =	shalt  }
0x75: {  	_ =	shalt  }
0x76: {  	_ =	shalt  }
0x77: {  	_ =	shalt  }
0x78: {  	_ =	shalt  }
0x79: {  	_ =	shalt  }
0x7a: {  	_ =	shalt  }
0x7b: {  	_ =	shalt  }
0x7c: {  	_ =	shalt  }
0x7d: {  	_ =	shalt  }
0x7e: {  	_ =	shalt  }
0x7f: {  	_ =	shalt  }
0x80: {  	_ =	shalt  }
0x81: {  	_ =	shalt  }
0x82: {  	_ =	shalt  }
0x83: {  	_ =	shalt  }
0x84: {  	_ =	shalt  }
0x85: {  	_ =	shalt  }
0x86: {  	_ =	shalt  }
0x87: {  	_ =	shalt  }
.Lfunc_end0:
.L_simem_size_0:
called_computation.1_lowered:
.L_overlay_start_0:
0x88: {  	s2 =	sld [smem:$0x3FD9]  }
0x89: {  	s3 =	sld [smem:$0x3FFE];
	_ =	sdelay $0x1  }
0x8a: {  	s1 =	srdreg.scid  }
0x8b: {  	s0 =	sand.u32 $0x1, s1  }
0x8c: {  	s17 =	sshll.u32 s0, $0xA;
	s2 =	sadd.s32 s3, s2  }
0x8d: {  	s2 =	sadd.s32 s2, s17  }
0x8e: {  	[smem:$0x3FC3] =	sst s2  }
0x8f: {  	_ = 	snop  }
0x90: {  	s2 =	sld [smem:$0x3FD0];
	(tm) =	ssettm $0x1  }
0x91: {  	s18 =	sld [smem:$0x3FFB];
	_ =	sdelay $0x3  }
0x92: {  	_ =	strace s18  }
0x93: {  	s3 =	sld [smem:$0x3FFC];
	_ =	sdelay $0x3  }
0x94: {  	_ =	strace s3  }
0x95: {  	s3 =	sld [smem:$0x3FFD];
	_ =	sdelay $0x3  }
0x96: {  	_ =	strace s3  }
0x97: {  	_ =	strace $0x8FFFFFFF  }
0x98: {  	s19 =	sld [smem:$0x3FDB];
	_ =	sdelay $0x1  }
0x99: {  	s4 =	simm.s32 $_scs_section_size  }
0x9a: {  	s5 =	simm.s32 $_size__tile_overlayer_lowered;
	s6 =	simm.s32 $_tile_overlayer_lowered  }
0x9b: {  	s22 =	simm.s32 $0x1BFF;
	s21 =	sshll.u32 s6, $0x1;
	s3 =	sadd.s32 s4, s19  }
0x9c: {  	s7 =	simm.s32 $0x0;
	s20 =	sshll.u32 s5, $0x1;
	s5 =	sadd.s32 s21, s3  }
0x9d: {  	[timem:s7], [sflag:s22] =	dma.local [hbm:s5], s20  }
0x9e: {  	_ =	swait.ge [sflag:s22], s20  }
0x9f: {  	s4 =	ssub.s32 $0x0, s20;
	[sflag:s22] =	ssyncset.done $0x0  }
0xa0: {  	[sflag:s22] =	ssyncadd.s32 s4;
	_ =	sdelay $0x1  }
0xa1: {  	s23 =	simm.s32 $0x1B8B  }
0xa2: {  	_ =	swait.ge [sflag:s23], $0x1  }
0xa3: {  	[sflag:s23] =	ssyncset.done $0x0  }
0xa4: {  	s25 =	simm.s32 $0x1B8E;
	s24 =	sld [smem:$0x3FFE];
	[sflag:s23] =	ssyncadd.s32 $0xFFFFFFFF  }
0xa5: {  	s26 =	simm.s32 $execute0_lowered;
	[smem:$0x3FD2] =	sst s25  }
0xa6: {  	s5 =	sshll.u32 s26, $0x1;
	_ =	strace $0x80000049;
	[dreg:$0x1] =	wrdreg $0xFFFFFFFF  }
0xa7: {  	s28 =	simm.s32 $_size_execute0_lowered;
	s3 =	sadd.s32 s3, s5;
	[dreg:$0x0] =	wrdreg $0x0  }
0xa8: {  	s5 =	sshll.u32 s28, $0x1;
	[dreg:$0x2] =	wrdreg s3  }
0xa9: {  	[dreg:$0x3] =	wrdreg s5  }
0xaa: {  	[dreg:$0x4] =	wrdreg $0xC0  }
0xab: {  	_ =	task [dreg:s7], $0x5FFFF  }
0xac: {  	[dreg:$0x1] =	wrdreg $0xFFFFFFFF  }
0xad: {  	[dreg:$0x0] =	wrdreg $0x60  }
0xae: {  	[dreg:$0x2] =	wrdreg s24  }
0xaf: {  	[dreg:$0x3] =	wrdreg s2  }
0xb0: {  	[dreg:$0x4] =	wrdreg $0x9  }
0xb1: {  	_ =	task.clear_ibuf [dreg:s7], $0x5FFFF;
	_ =	strace $0x90000049  }
0xb2: {  	s29 =	simm.s32 $0x9;
	_ =	strace $0x8000004B  }
0xb3: {  	_ =	swait.ge [sflag:s29], $0x1  }
0xb4: {  	[sflag:s29] =	ssyncadd.s32 $0xFFFFFFFF  }
0xb5: {  	_ =	strace $0x9000004B  }
0xb6: {  	_ =	sfence  }
0xb7: {  	s30 =	sld [smem:$0x0];
	_ =	sdelay $0x2  }
0xb8: {  	s31 =	sshll.u32 s1, $0xD;
	s1 =	sshrl.u32 s1, $0x2  }
0xb9: {  	s3 =	sand.u32 $0x4000, s31;
	s1 =	sadd.s32 s1, s30  }
0xba: {  	s0 =	sor.u32 s3, s0;
	s1 =	sshll.u32 s1, $0x11  }
0xbb: {  	s0 =	sor.u32 s1, s0  }
0xbc: {  	s0 =	sadd.s32 $0x8F2B, s0  }
0xbd: {  	[sflag:s0] =	ssyncadd.remote.s32 $0x1  }
0xbe: {  	_ =	sfence.sel $0xFFFF  }
0xbf: {  	[dreg:$0x0] =	wrdreg $0xFFFFFFFF;
	(pc) =	sbr.abs _section_cstart, $3  }
0xc0: {  	[dreg:$0x1] =	wrdreg $0xFFFFFFFF  }
0xc1: {  	_ =	task.clear_ibuf [dreg:s7], $0x2FFFF;
	_ =	strace $0x9FFFFFFF  }
0xc2: {  	(tm) =	ssettm $0x7FFFFFFF  }
0xc3: {  	_ =	shalt  }
tec
execute0_lowered:
.L_overlay_start_1:
0x0: {  	(tag) =	ssettag $0x1  }
0x1: {  	s0 =	rddreg [dreg:$0x0];
	s1 =	srdreg.scid  }
0x2: {  	s2 =	stileid.u32;
	s4 =	rddreg [dreg:$0x1];
	s15 =	simm.s32 $0xA00  }
0x3: {  	s16 =	simm.s32 $0x1200;
	s17 =	simm.s32 $0x1A00;
	s18 =	simm.s32 $0x2200  }
0x4: {  	s19 =	simm.s32 $0x2A00;
	s20 =	simm.s32 $0x3200;
	s21 =	simm.s32 $0x3A00  }
0x5: {  	s22 =	simm.s32 $0x4200;
	s28 =	simm.s32 $0x6A00;
	s29 =	simm.s32 $0x7200  }
0x6: {  	s30 =	simm.s32 $0x7A00;
	s31 =	simm.s32 $0x8200;
	s9 =	simm.s32 $0xA200  }
0x7: {  	s10 =	simm.s32 $0xB200;
	s11 =	simm.s32 $0xBA00;
	s12 =	simm.s32 $0xC200  }
0x8: {  	s1 =	sand.u32 $0x1, s1;
	s3 =	sshll.u32 s2, $0x1;
	s2 =	simm.s32 $0x0  }
0x9: {  	s13 =	simm.s32 $0x1;
	s5 =	sor.u32 s1, s3;
	[smem:$0x7FF] =	sst s2  }
0xa: {  	s3 =	sadd.s32 $0x240800, s0;
	s1 =	ssub.s32 $0x2, s1;
	s6 =	smul.u32 $0x6000, s5  }
0xb: {  	s7 =	smul.u32 $0x30000, s5;
	s5 =	sshll.u32 s5, $0x6;
	s25 =	sshrl.u32 s1, $0x1  }
0xc: {  	_ =	strace $0x8000004A;
	s5 =	sadd.s32 s0, s5;
	s1 =	ssub.s32 s1, s25  }
0xd: {  	s25 =	simm.s32 $0x5A00;
	s8 =	sadd.s32 s4, s6;
	s23 =	sshrl.u32 s7, $0x3  }
0xe: {  	[dreg:$0x3] =	wrdreg s5;
	s5 =	sadd.s32 $0x240900, s0;
	s6 =	sadd.s32 $0x240A00, s0  }
0xf: {  	[dreg:$0x7] =	wrdreg s8;
	s24 =	sadd.s32 $0x1800, s8;
	s4 =	sadd.s32 s4, s23  }
0x10: {  	v2 =	vlaneseq.u32;
	s8 =	smax.u32 s1, $0x1;
	[dreg:$0x4] =	wrdreg s24;
	s26 =	sadd.s32 $0x3000, s4  }
0x11: {  	vm0 =	vmmov $0xffff;
	v1 =	vshrl.u32 v2, $0x3;
	s23 =	simm.s32 $0x4A00;
	s4 =	sadd.s32 $0x4800, s4;
	[dreg:$0x5] =	wrdreg s26  }
0x12: {  	v0 =	vand.u32 $0x7, v2;
	v2 =	vor.u32 $0x8, v2;
	v1 =	vmul.u32 $0x8, v1;
	s24 =	simm.s32 $0x5200;
	[dreg:$0x6] =	wrdreg s4;
	s26 =	simm.s32 $0x6200  }
.LBB2_1:
0x13: {  	s14 =	rddreg [dreg:$0x3];
	s0 =	simm.s32 $0x5  }
0x14: {  	[tilespmem:s2], [sflag:$0x5] =	stream.linear.gather [hbm4b:s14+s2], $0x200, $0x38;
	[tilespmem:$0x18200] =	vst v63  }
0x15: {  	_ =	swait.ge [sflag:s0], $0x200  }
0x16: {  	[sflag:s0] =	ssyncset.done $0x0  }
0x17: {  	[sflag:s0] =	ssyncadd.s32 $0xFFFFFE00  }
0x18: {  	v3 =	vld [tilespmem:$0x0];
	_ =	sdelay $0x4  }
0x19: {  	v4 =	vshrl.u32 v3, $0x3  }
0x1a: {  	v4 =	vmul.u32 $0x30, v4  }
0x1b: {  	v3 =	vand.u32 $0x7, v3  }
0x1c: {  	v3 =	vor.u32 v3, v4  }
0x1d: {  	v4 =	vperm.xlane v3, v0;
	_ =	sdelay $0x1  }
0x1e: {  	v4 =	vadd.s32 v1, v4;
	_ =	sdelay $0x3  }
0x1f: {  	s1 =	simm.s32 $0x200;
	v3 =	vperm.xlane v3, v2  }
0x20: {  	[tilespmem:s1], [sflag:$0x1] =	stream.indirect_vreg.gather [hbm4b:s3+s2], $0x80, v4, vm0, $0xb8;
	[tilespmem:$0x18200] =	vst v63  }
0x21: {  	v3 =	vadd.s32 v1, v3  }
0x22: {  	[tilespmem:s15], [sflag:$0x1] =	stream.indirect_vreg.gather [hbm4b:s5+s2], $0x80, v4, vm0, $0xb8;
	[tilespmem:$0x18200] =	vst v63  }
0x23: {  	_ = 	snop  }
0x24: {  	[tilespmem:s16], [sflag:$0x1] =	stream.indirect_vreg.gather [hbm4b:s6+s2], $0x80, v4, vm0, $0xb8;
	[tilespmem:$0x18200] =	vst v63  }
0x25: {  	_ = 	snop  }
0x26: {  	[tilespmem:s17], [sflag:$0x1] =	stream.indirect_vreg.gather [hbm4b:s3+s2], $0x80, v3, vm0, $0xb8;
	[tilespmem:$0x18200] =	vst v63  }
0x27: {  	_ = 	snop  }
0x28: {  	[tilespmem:s18], [sflag:$0x1] =	stream.indirect_vreg.gather [hbm4b:s5+s2], $0x80, v3, vm0, $0xb8;
	[tilespmem:$0x18200] =	vst v63  }
0x29: {  	_ = 	snop  }
0x2a: {  	[tilespmem:s19], [sflag:$0x1] =	stream.indirect_vreg.gather [hbm4b:s6+s2], $0x80, v3, vm0, $0xb8;
	[tilespmem:$0x18200] =	vst v63  }
0x2b: {  	v3 =	vld [tilespmem:$0x10];
	_ =	sdelay $0x4  }
0x2c: {  	v49 =	vshrl.u32 v3, $0x3  }
0x2d: {  	v4 =	vmul.u32 $0x30, v49  }
0x2e: {  	v3 =	vand.u32 $0x7, v3  }
0x2f: {  	v3 =	vor.u32 v3, v4  }
0x30: {  	v4 =	vperm.xlane v3, v0;
	_ =	sdelay $0x1  }
0x31: {  	v4 =	vadd.s32 v1, v4;
	_ =	sdelay $0x3  }
0x32: {  	v3 =	vperm.xlane v3, v2  }
0x33: {  	[tilespmem:s20], [sflag:$0x1] =	stream.indirect_vreg.gather [hbm4b:s3+s2], $0x80, v4, vm0, $0xb8;
	[tilespmem:$0x18200] =	vst v63  }
0x34: {  	v3 =	vadd.s32 v1, v3  }
0x35: {  	[tilespmem:s21], [sflag:$0x1] =	stream.indirect_vreg.gather [hbm4b:s5+s2], $0x80, v4, vm0, $0xb8;
	[tilespmem:$0x18200] =	vst v63  }
0x36: {  	_ = 	snop  }
0x37: {  	[tilespmem:s22], [sflag:$0x1] =	stream.indirect_vreg.gather [hbm4b:s6+s2], $0x80, v4, vm0, $0xb8;
	[tilespmem:$0x18200] =	vst v63  }
0x38: {  	_ = 	snop  }
0x39: {  	[tilespmem:s23], [sflag:$0x1] =	stream.indirect_vreg.gather [hbm4b:s3+s2], $0x80, v3, vm0, $0xb8;
	[tilespmem:$0x18200] =	vst v63  }
0x3a: {  	_ = 	snop  }
0x3b: {  	[tilespmem:s24], [sflag:$0x1] =	stream.indirect_vreg.gather [hbm4b:s5+s2], $0x80, v3, vm0, $0xb8;
	[tilespmem:$0x18200] =	vst v63  }
0x3c: {  	_ = 	snop  }
0x3d: {  	[tilespmem:s25], [sflag:$0x1] =	stream.indirect_vreg.gather [hbm4b:s6+s2], $0x80, v3, vm0, $0xb8;
	[tilespmem:$0x18200] =	vst v63  }
0x3e: {  	v3 =	vld [tilespmem:$0x20];
	_ =	sdelay $0x4  }
0x3f: {  	v50 =	vshrl.u32 v3, $0x3  }
0x40: {  	v4 =	vmul.u32 $0x30, v50  }
0x41: {  	v3 =	vand.u32 $0x7, v3  }
0x42: {  	v3 =	vor.u32 v3, v4  }
0x43: {  	v4 =	vperm.xlane v3, v0;
	_ =	sdelay $0x1  }
0x44: {  	v4 =	vadd.s32 v1, v4;
	_ =	sdelay $0x3  }
0x45: {  	v3 =	vperm.xlane v3, v2  }
0x46: {  	[tilespmem:s26], [sflag:$0x1] =	stream.indirect_vreg.gather [hbm4b:s3+s2], $0x80, v4, vm0, $0xb8;
	[tilespmem:$0x18200] =	vst v63  }
0x47: {  	v3 =	vadd.s32 v1, v3  }
0x48: {  	[tilespmem:s28], [sflag:$0x1] =	stream.indirect_vreg.gather [hbm4b:s5+s2], $0x80, v4, vm0, $0xb8;
	[tilespmem:$0x18200] =	vst v63  }
0x49: {  	_ = 	snop  }
0x4a: {  	[tilespmem:s29], [sflag:$0x1] =	stream.indirect_vreg.gather [hbm4b:s6+s2], $0x80, v4, vm0, $0xb8;
	[tilespmem:$0x18200] =	vst v63  }
0x4b: {  	_ = 	snop  }
0x4c: {  	[tilespmem:s30], [sflag:$0x1] =	stream.indirect_vreg.gather [hbm4b:s3+s2], $0x80, v3, vm0, $0xb8;
	[tilespmem:$0x18200] =	vst v63  }
0x4d: {  	_ = 	snop  }
0x4e: {  	[tilespmem:s31], [sflag:$0x1] =	stream.indirect_vreg.gather [hbm4b:s5+s2], $0x80, v3, vm0, $0xb8;
	[tilespmem:$0x18200] =	vst v63  }
0x4f: {  	s1 =	simm.s32 $0x8A00  }
0x50: {  	[tilespmem:s1], [sflag:$0x1] =	stream.indirect_vreg.gather [hbm4b:s6+s2], $0x80, v3, vm0, $0xb8;
	[tilespmem:$0x18200] =	vst v63  }
0x51: {  	v3 =	vld [tilespmem:$0x30];
	_ =	sdelay $0x4  }
0x52: {  	v51 =	vshrl.u32 v3, $0x3  }
0x53: {  	v4 =	vmul.u32 $0x30, v51  }
0x54: {  	v3 =	vand.u32 $0x7, v3  }
0x55: {  	v3 =	vor.u32 v3, v4  }
0x56: {  	v4 =	vperm.xlane v3, v0;
	_ =	sdelay $0x1  }
0x57: {  	v4 =	vadd.s32 v1, v4;
	_ =	sdelay $0x3  }
0x58: {  	s4 =	simm.s32 $0x9200;
	v3 =	vperm.xlane v3, v2  }
0x59: {  	[tilespmem:s4], [sflag:$0x1] =	stream.indirect_vreg.gather [hbm4b:s3+s2], $0x80, v4, vm0, $0xb8;
	[tilespmem:$0x18200] =	vst v63  }
0x5a: {  	s7 =	simm.s32 $0x9A00;
	v3 =	vadd.s32 v1, v3  }
0x5b: {  	[tilespmem:s7], [sflag:$0x1] =	stream.indirect_vreg.gather [hbm4b:s5+s2], $0x80, v4, vm0, $0xb8;
	[tilespmem:$0x18200] =	vst v63  }
0x5c: {  	_ = 	snop  }
0x5d: {  	[tilespmem:s9], [sflag:$0x1] =	stream.indirect_vreg.gather [hbm4b:s6+s2], $0x80, v4, vm0, $0xb8;
	[tilespmem:$0x18200] =	vst v63  }
0x5e: {  	s4 =	simm.s32 $0xAA00  }
0x5f: {  	[tilespmem:s4], [sflag:$0x1] =	stream.indirect_vreg.gather [hbm4b:s3+s2], $0x80, v3, vm0, $0xb8;
	[tilespmem:$0x18200] =	vst v63  }
0x60: {  	_ = 	snop  }
0x61: {  	[tilespmem:s10], [sflag:$0x1] =	stream.indirect_vreg.gather [hbm4b:s5+s2], $0x80, v3, vm0, $0xb8;
	[tilespmem:$0x18200] =	vst v63  }
0x62: {  	_ = 	snop  }
0x63: {  	[tilespmem:s11], [sflag:$0x1] =	stream.indirect_vreg.gather [hbm4b:s6+s2], $0x80, v3, vm0, $0xb8;
	[tilespmem:$0x18200] =	vst v63  }
0x64: {  	v3 =	vld [tilespmem:$0x80];
	_ =	sdelay $0x4  }
0x65: {  	v52 =	vshrl.u32 v3, $0x3  }
0x66: {  	v4 =	vmul.u32 $0x30, v52  }
0x67: {  	v3 =	vand.u32 $0x7, v3  }
0x68: {  	v3 =	vor.u32 v3, v4  }
0x69: {  	v4 =	vperm.xlane v3, v0;
	_ =	sdelay $0x1  }
0x6a: {  	v4 =	vadd.s32 v1, v4;
	_ =	sdelay $0x3  }
0x6b: {  	v3 =	vperm.xlane v3, v2  }
0x6c: {  	[tilespmem:s12], [sflag:$0x2] =	stream.indirect_vreg.gather [hbm4b:s3+s2], $0x80, v4, vm0, $0xb8;
	[tilespmem:$0x18200] =	vst v63  }
0x6d: {  	s14 =	simm.s32 $0xCA00;
	v3 =	vadd.s32 v1, v3  }
0x6e: {  	[tilespmem:s14], [sflag:$0x2] =	stream.indirect_vreg.gather [hbm4b:s5+s2], $0x80, v4, vm0, $0xb8;
	[tilespmem:$0x18200] =	vst v63  }
0x6f: {  	s7 =	simm.s32 $0xD200  }
0x70: {  	[tilespmem:s7], [sflag:$0x2] =	stream.indirect_vreg.gather [hbm4b:s6+s2], $0x80, v4, vm0, $0xb8;
	[tilespmem:$0x18200] =	vst v63  }
0x71: {  	s14 =	simm.s32 $0xDA00  }
0x72: {  	[tilespmem:s14], [sflag:$0x2] =	stream.indirect_vreg.gather [hbm4b:s3+s2], $0x80, v3, vm0, $0xb8;
	[tilespmem:$0x18200] =	vst v63  }
0x73: {  	s7 =	simm.s32 $0xE200  }
0x74: {  	[tilespmem:s7], [sflag:$0x2] =	stream.indirect_vreg.gather [hbm4b:s5+s2], $0x80, v3, vm0, $0xb8;
	[tilespmem:$0x18200] =	vst v63  }
0x75: {  	s14 =	simm.s32 $0xEA00  }
0x76: {  	[tilespmem:s14], [sflag:$0x2] =	stream.indirect_vreg.gather [hbm4b:s6+s2], $0x80, v3, vm0, $0xb8;
	[tilespmem:$0x18200] =	vst v63  }
0x77: {  	v3 =	vld [tilespmem:$0x90];
	_ =	sdelay $0x4  }
0x78: {  	v53 =	vshrl.u32 v3, $0x3  }
0x79: {  	v4 =	vmul.u32 $0x30, v53  }
0x7a: {  	v3 =	vand.u32 $0x7, v3  }
0x7b: {  	v3 =	vor.u32 v3, v4  }
0x7c: {  	v4 =	vperm.xlane v3, v0;
	_ =	sdelay $0x1  }
0x7d: {  	v4 =	vadd.s32 v1, v4;
	_ =	sdelay $0x3  }
0x7e: {  	s7 =	simm.s32 $0xF200;
	v3 =	vperm.xlane v3, v2  }
0x7f: {  	[tilespmem:s7], [sflag:$0x2] =	stream.indirect_vreg.gather [hbm4b:s3+s2], $0x80, v4, vm0, $0xb8;
	[tilespmem:$0x18200] =	vst v63  }
0x80: {  	s14 =	simm.s32 $0xFA00;
	v3 =	vadd.s32 v1, v3  }
0x81: {  	[tilespmem:s14], [sflag:$0x2] =	stream.indirect_vreg.gather [hbm4b:s5+s2], $0x80, v4, vm0, $0xb8;
	[tilespmem:$0x18200] =	vst v63  }
0x82: {  	s7 =	simm.s32 $0x10200  }
0x83: {  	[tilespmem:s7], [sflag:$0x2] =	stream.indirect_vreg.gather [hbm4b:s6+s2], $0x80, v4, vm0, $0xb8;
	[tilespmem:$0x18200] =	vst v63  }
0x84: {  	s14 =	simm.s32 $0x10A00  }
0x85: {  	[tilespmem:s14], [sflag:$0x2] =	stream.indirect_vreg.gather [hbm4b:s3+s2], $0x80, v3, vm0, $0xb8;
	[tilespmem:$0x18200] =	vst v63  }
0x86: {  	s7 =	simm.s32 $0x11200  }
0x87: {  	[tilespmem:s7], [sflag:$0x2] =	stream.indirect_vreg.gather [hbm4b:s5+s2], $0x80, v3, vm0, $0xb8;
	[tilespmem:$0x18200] =	vst v63  }
0x88: {  	s14 =	simm.s32 $0x11A00  }
0x89: {  	[tilespmem:s14], [sflag:$0x2] =	stream.indirect_vreg.gather [hbm4b:s6+s2], $0x80, v3, vm0, $0xb8;
	[tilespmem:$0x18200] =	vst v63  }
0x8a: {  	v3 =	vld [tilespmem:$0xA0];
	_ =	sdelay $0x4  }
0x8b: {  	v54 =	vshrl.u32 v3, $0x3  }
0x8c: {  	v4 =	vmul.u32 $0x30, v54  }
0x8d: {  	v3 =	vand.u32 $0x7, v3  }
0x8e: {  	v3 =	vor.u32 v3, v4  }
0x8f: {  	v4 =	vperm.xlane v3, v0;
	_ =	sdelay $0x1  }
0x90: {  	v4 =	vadd.s32 v1, v4;
	_ =	sdelay $0x3  }
0x91: {  	s7 =	simm.s32 $0x12200;
	v3 =	vperm.xlane v3, v2  }
0x92: {  	[tilespmem:s7], [sflag:$0x2] =	stream.indirect_vreg.gather [hbm4b:s3+s2], $0x80, v4, vm0, $0xb8;
	[tilespmem:$0x18200] =	vst v63  }
0x93: {  	s14 =	simm.s32 $0x12A00;
	v3 =	vadd.s32 v1, v3  }
0x94: {  	[tilespmem:s14], [sflag:$0x2] =	stream.indirect_vreg.gather [hbm4b:s5+s2], $0x80, v4, vm0, $0xb8;
	[tilespmem:$0x18200] =	vst v63  }
0x95: {  	s7 =	simm.s32 $0x13200  }
0x96: {  	[tilespmem:s7], [sflag:$0x2] =	stream.indirect_vreg.gather [hbm4b:s6+s2], $0x80, v4, vm0, $0xb8;
	[tilespmem:$0x18200] =	vst v63  }
0x97: {  	s14 =	simm.s32 $0x13A00  }
0x98: {  	[tilespmem:s14], [sflag:$0x2] =	stream.indirect_vreg.gather [hbm4b:s3+s2], $0x80, v3, vm0, $0xb8;
	[tilespmem:$0x18200] =	vst v63  }
0x99: {  	s7 =	simm.s32 $0x14200  }
0x9a: {  	[tilespmem:s7], [sflag:$0x2] =	stream.indirect_vreg.gather [hbm4b:s5+s2], $0x80, v3, vm0, $0xb8;
	[tilespmem:$0x18200] =	vst v63  }
0x9b: {  	s14 =	simm.s32 $0x14A00  }
0x9c: {  	[tilespmem:s14], [sflag:$0x2] =	stream.indirect_vreg.gather [hbm4b:s6+s2], $0x80, v3, vm0, $0xb8;
	[tilespmem:$0x18200] =	vst v63  }
0x9d: {  	v3 =	vld [tilespmem:$0xB0];
	_ =	sdelay $0x4  }
0x9e: {  	v55 =	vshrl.u32 v3, $0x3  }
0x9f: {  	v4 =	vmul.u32 $0x30, v55  }
0xa0: {  	v3 =	vand.u32 $0x7, v3  }
0xa1: {  	v3 =	vor.u32 v3, v4  }
0xa2: {  	v4 =	vperm.xlane v3, v0;
	_ =	sdelay $0x1  }
0xa3: {  	v4 =	vadd.s32 v1, v4;
	_ =	sdelay $0x3  }
0xa4: {  	s7 =	simm.s32 $0x15200;
	v3 =	vperm.xlane v3, v2  }
0xa5: {  	[tilespmem:s7], [sflag:$0x2] =	stream.indirect_vreg.gather [hbm4b:s3+s2], $0x80, v4, vm0, $0xb8;
	[tilespmem:$0x18200] =	vst v63  }
0xa6: {  	s14 =	simm.s32 $0x15A00;
	v3 =	vadd.s32 v1, v3  }
0xa7: {  	[tilespmem:s14], [sflag:$0x2] =	stream.indirect_vreg.gather [hbm4b:s5+s2], $0x80, v4, vm0, $0xb8;
	[tilespmem:$0x18200] =	vst v63  }
0xa8: {  	s7 =	simm.s32 $0x16200  }
0xa9: {  	[tilespmem:s7], [sflag:$0x2] =	stream.indirect_vreg.gather [hbm4b:s6+s2], $0x80, v4, vm0, $0xb8;
	[tilespmem:$0x18200] =	vst v63  }
0xaa: {  	s14 =	simm.s32 $0x16A00  }
0xab: {  	[tilespmem:s14], [sflag:$0x2] =	stream.indirect_vreg.gather [hbm4b:s3+s2], $0x80, v3, vm0, $0xb8;
	[tilespmem:$0x18200] =	vst v63  }
0xac: {  	s7 =	simm.s32 $0x17200  }
0xad: {  	[tilespmem:s7], [sflag:$0x2] =	stream.indirect_vreg.gather [hbm4b:s5+s2], $0x80, v3, vm0, $0xb8;
	[tilespmem:$0x18200] =	vst v63  }
0xae: {  	s14 =	simm.s32 $0x17A00  }
0xaf: {  	[tilespmem:s14], [sflag:$0x2] =	stream.indirect_vreg.gather [hbm4b:s6+s2], $0x80, v3, vm0, $0xb8;
	[tilespmem:$0x18200] =	vst v63  }
0xb0: {  	_ =	swait.ge [sflag:s13], $0xC000  }
0xb1: {  	[sflag:s13] =	ssyncset.done $0x0  }
0xb2: {  	s7 =	simm.s32 $0x200;
	s0 =	rddreg [dreg:$0x7];
	[sflag:s13] =	ssyncadd.s32 $0xFFFF4000  }
0xb3: {  	[hbm4b:s0+s2] =	stream.linear.scatter [tilespmem:s7], [sflag:$0x3], $0xC000, $0x38;
	[tilespmem:$0x18200] =	vst v63  }
0xb4: {  	s0 =	simm.s32 $0x3  }
0xb5: {  	_ =	swait.ge [sflag:s0], $0xC000  }
0xb6: {  	[sflag:s0] =	ssyncset.done $0x0  }
0xb7: {  	[sflag:s0] =	ssyncadd.s32 $0xFFFF4000  }
0xb8: {  	v3 =	vld [tilespmem:$0x100];
	_ =	sdelay $0x4  }
0xb9: {  	v56 =	vshrl.u32 v3, $0x3  }
0xba: {  	v4 =	vmul.u32 $0x30, v56  }
0xbb: {  	v3 =	vand.u32 $0x7, v3  }
0xbc: {  	v3 =	vor.u32 v3, v4  }
0xbd: {  	v4 =	vperm.xlane v3, v0;
	_ =	sdelay $0x1  }
0xbe: {  	v4 =	vadd.s32 v1, v4;
	_ =	sdelay $0x3  }
0xbf: {  	v3 =	vperm.xlane v3, v2  }
0xc0: {  	[tilespmem:s7], [sflag:$0x1] =	stream.indirect_vreg.gather [hbm4b:s3+s2], $0x80, v4, vm0, $0xb8;
	[tilespmem:$0x18200] =	vst v63  }
0xc1: {  	v3 =	vadd.s32 v1, v3  }
0xc2: {  	[tilespmem:s15], [sflag:$0x1] =	stream.indirect_vreg.gather [hbm4b:s5+s2], $0x80, v4, vm0, $0xb8;
	[tilespmem:$0x18200] =	vst v63  }
0xc3: {  	_ = 	snop  }
0xc4: {  	[tilespmem:s16], [sflag:$0x1] =	stream.indirect_vreg.gather [hbm4b:s6+s2], $0x80, v4, vm0, $0xb8;
	[tilespmem:$0x18200] =	vst v63  }
0xc5: {  	_ = 	snop  }
0xc6: {  	[tilespmem:s17], [sflag:$0x1] =	stream.indirect_vreg.gather [hbm4b:s3+s2], $0x80, v3, vm0, $0xb8;
	[tilespmem:$0x18200] =	vst v63  }
0xc7: {  	_ = 	snop  }
0xc8: {  	[tilespmem:s18], [sflag:$0x1] =	stream.indirect_vreg.gather [hbm4b:s5+s2], $0x80, v3, vm0, $0xb8;
	[tilespmem:$0x18200] =	vst v63  }
0xc9: {  	_ = 	snop  }
0xca: {  	[tilespmem:s19], [sflag:$0x1] =	stream.indirect_vreg.gather [hbm4b:s6+s2], $0x80, v3, vm0, $0xb8;
	[tilespmem:$0x18200] =	vst v63  }
0xcb: {  	v3 =	vld [tilespmem:$0x110];
	_ =	sdelay $0x4  }
0xcc: {  	v57 =	vshrl.u32 v3, $0x3  }
0xcd: {  	v4 =	vmul.u32 $0x30, v57  }
0xce: {  	v3 =	vand.u32 $0x7, v3  }
0xcf: {  	v3 =	vor.u32 v3, v4  }
0xd0: {  	v4 =	vperm.xlane v3, v0;
	_ =	sdelay $0x1  }
0xd1: {  	v4 =	vadd.s32 v1, v4;
	_ =	sdelay $0x3  }
0xd2: {  	v3 =	vperm.xlane v3, v2  }
0xd3: {  	[tilespmem:s20], [sflag:$0x1] =	stream.indirect_vreg.gather [hbm4b:s3+s2], $0x80, v4, vm0, $0xb8;
	[tilespmem:$0x18200] =	vst v63  }
0xd4: {  	v3 =	vadd.s32 v1, v3  }
0xd5: {  	[tilespmem:s21], [sflag:$0x1] =	stream.indirect_vreg.gather [hbm4b:s5+s2], $0x80, v4, vm0, $0xb8;
	[tilespmem:$0x18200] =	vst v63  }
0xd6: {  	_ = 	snop  }
0xd7: {  	[tilespmem:s22], [sflag:$0x1] =	stream.indirect_vreg.gather [hbm4b:s6+s2], $0x80, v4, vm0, $0xb8;
	[tilespmem:$0x18200] =	vst v63  }
0xd8: {  	_ = 	snop  }
0xd9: {  	[tilespmem:s23], [sflag:$0x1] =	stream.indirect_vreg.gather [hbm4b:s3+s2], $0x80, v3, vm0, $0xb8;
	[tilespmem:$0x18200] =	vst v63  }
0xda: {  	_ = 	snop  }
0xdb: {  	[tilespmem:s24], [sflag:$0x1] =	stream.indirect_vreg.gather [hbm4b:s5+s2], $0x80, v3, vm0, $0xb8;
	[tilespmem:$0x18200] =	vst v63  }
0xdc: {  	_ = 	snop  }
0xdd: {  	[tilespmem:s25], [sflag:$0x1] =	stream.indirect_vreg.gather [hbm4b:s6+s2], $0x80, v3, vm0, $0xb8;
	[tilespmem:$0x18200] =	vst v63  }
0xde: {  	v3 =	vld [tilespmem:$0x120];
	_ =	sdelay $0x4  }
0xdf: {  	v58 =	vshrl.u32 v3, $0x3  }
0xe0: {  	v4 =	vmul.u32 $0x30, v58  }
0xe1: {  	v3 =	vand.u32 $0x7, v3  }
0xe2: {  	v3 =	vor.u32 v3, v4  }
0xe3: {  	v4 =	vperm.xlane v3, v0;
	_ =	sdelay $0x1  }
0xe4: {  	v4 =	vadd.s32 v1, v4;
	_ =	sdelay $0x3  }
0xe5: {  	v3 =	vperm.xlane v3, v2  }
0xe6: {  	[tilespmem:s26], [sflag:$0x1] =	stream.indirect_vreg.gather [hbm4b:s3+s2], $0x80, v4, vm0, $0xb8;
	[tilespmem:$0x18200] =	vst v63  }
0xe7: {  	v3 =	vadd.s32 v1, v3  }
0xe8: {  	[tilespmem:s28], [sflag:$0x1] =	stream.indirect_vreg.gather [hbm4b:s5+s2], $0x80, v4, vm0, $0xb8;
	[tilespmem:$0x18200] =	vst v63  }
0xe9: {  	_ = 	snop  }
0xea: {  	[tilespmem:s29], [sflag:$0x1] =	stream.indirect_vreg.gather [hbm4b:s6+s2], $0x80, v4, vm0, $0xb8;
	[tilespmem:$0x18200] =	vst v63  }
0xeb: {  	_ = 	snop  }
0xec: {  	[tilespmem:s30], [sflag:$0x1] =	stream.indirect_vreg.gather [hbm4b:s3+s2], $0x80, v3, vm0, $0xb8;
	[tilespmem:$0x18200] =	vst v63  }
0xed: {  	_ = 	snop  }
0xee: {  	[tilespmem:s31], [sflag:$0x1] =	stream.indirect_vreg.gather [hbm4b:s5+s2], $0x80, v3, vm0, $0xb8;
	[tilespmem:$0x18200] =	vst v63  }
0xef: {  	_ = 	snop  }
0xf0: {  	[tilespmem:s1], [sflag:$0x1] =	stream.indirect_vreg.gather [hbm4b:s6+s2], $0x80, v3, vm0, $0xb8;
	[tilespmem:$0x18200] =	vst v63  }
0xf1: {  	v3 =	vld [tilespmem:$0x130];
	_ =	sdelay $0x4  }
0xf2: {  	v59 =	vshrl.u32 v3, $0x3  }
0xf3: {  	v4 =	vmul.u32 $0x30, v59  }
0xf4: {  	v3 =	vand.u32 $0x7, v3  }
0xf5: {  	v3 =	vor.u32 v3, v4  }
0xf6: {  	v4 =	vperm.xlane v3, v0;
	_ =	sdelay $0x1  }
0xf7: {  	v4 =	vadd.s32 v1, v4;
	_ =	sdelay $0x3  }
0xf8: {  	s7 =	simm.s32 $0x9200;
	v3 =	vperm.xlane v3, v2  }
0xf9: {  	[tilespmem:s7], [sflag:$0x1] =	stream.indirect_vreg.gather [hbm4b:s3+s2], $0x80, v4, vm0, $0xb8;
	[tilespmem:$0x18200] =	vst v63  }
0xfa: {  	s14 =	simm.s32 $0x9A00;
	v3 =	vadd.s32 v1, v3  }
0xfb: {  	[tilespmem:s14], [sflag:$0x1] =	stream.indirect_vreg.gather [hbm4b:s5+s2], $0x80, v4, vm0, $0xb8;
	[tilespmem:$0x18200] =	vst v63  }
0xfc: {  	_ = 	snop  }
0xfd: {  	[tilespmem:s9], [sflag:$0x1] =	stream.indirect_vreg.gather [hbm4b:s6+s2], $0x80, v4, vm0, $0xb8;
	[tilespmem:$0x18200] =	vst v63  }
0xfe: {  	_ = 	snop  }
0xff: {  	[tilespmem:s4], [sflag:$0x1] =	stream.indirect_vreg.gather [hbm4b:s3+s2], $0x80, v3, vm0, $0xb8;
	[tilespmem:$0x18200] =	vst v63  }
0x100: {  	_ = 	snop  }
0x101: {  	[tilespmem:s10], [sflag:$0x1] =	stream.indirect_vreg.gather [hbm4b:s5+s2], $0x80, v3, vm0, $0xb8;
	[tilespmem:$0x18200] =	vst v63  }
0x102: {  	s1 =	simm.s32 $0x2  }
0x103: {  	[tilespmem:s11], [sflag:$0x1] =	stream.indirect_vreg.gather [hbm4b:s6+s2], $0x80, v3, vm0, $0xb8;
	[tilespmem:$0x18200] =	vst v63  }
0x104: {  	_ =	swait.ge [sflag:s1], $0xC000  }
0x105: {  	[sflag:s1] =	ssyncset.done $0x0  }
0x106: {  	s4 =	simm.s32 $0x4;
	s7 =	rddreg [dreg:$0x4];
	[sflag:s1] =	ssyncadd.s32 $0xFFFF4000  }
0x107: {  	[hbm4b:s7+s2] =	stream.linear.scatter [tilespmem:s12], [sflag:$0x4], $0xC000, $0x38;
	[tilespmem:$0x18200] =	vst v63  }
0x108: {  	_ =	swait.ge [sflag:s4], $0xC000  }
0x109: {  	[sflag:s4] =	ssyncset.done $0x0  }
0x10a: {  	[sflag:s4] =	ssyncadd.s32 $0xFFFF4000  }
0x10b: {  	v3 =	vld [tilespmem:$0x180];
	_ =	sdelay $0x4  }
0x10c: {  	v60 =	vshrl.u32 v3, $0x3  }
0x10d: {  	v4 =	vmul.u32 $0x30, v60  }
0x10e: {  	v3 =	vand.u32 $0x7, v3  }
0x10f: {  	v3 =	vor.u32 v3, v4  }
0x110: {  	v4 =	vperm.xlane v3, v0;
	_ =	sdelay $0x1  }
0x111: {  	v4 =	vadd.s32 v1, v4;
	_ =	sdelay $0x3  }
0x112: {  	v3 =	vperm.xlane v3, v2  }
0x113: {  	[tilespmem:s12], [sflag:$0x2] =	stream.indirect_vreg.gather [hbm4b:s3+s2], $0x80, v4, vm0, $0xb8;
	[tilespmem:$0x18200] =	vst v63  }
0x114: {  	s14 =	simm.s32 $0xCA00;
	v3 =	vadd.s32 v1, v3  }
0x115: {  	[tilespmem:s14], [sflag:$0x2] =	stream.indirect_vreg.gather [hbm4b:s5+s2], $0x80, v4, vm0, $0xb8;
	[tilespmem:$0x18200] =	vst v63  }
0x116: {  	s14 =	simm.s32 $0xD200  }
0x117: {  	[tilespmem:s14], [sflag:$0x2] =	stream.indirect_vreg.gather [hbm4b:s6+s2], $0x80, v4, vm0, $0xb8;
	[tilespmem:$0x18200] =	vst v63  }
0x118: {  	s14 =	simm.s32 $0xDA00  }
0x119: {  	[tilespmem:s14], [sflag:$0x2] =	stream.indirect_vreg.gather [hbm4b:s3+s2], $0x80, v3, vm0, $0xb8;
	[tilespmem:$0x18200] =	vst v63  }
0x11a: {  	s14 =	simm.s32 $0xE200  }
0x11b: {  	[tilespmem:s14], [sflag:$0x2] =	stream.indirect_vreg.gather [hbm4b:s5+s2], $0x80, v3, vm0, $0xb8;
	[tilespmem:$0x18200] =	vst v63  }
0x11c: {  	s14 =	simm.s32 $0xEA00  }
0x11d: {  	[tilespmem:s14], [sflag:$0x2] =	stream.indirect_vreg.gather [hbm4b:s6+s2], $0x80, v3, vm0, $0xb8;
	[tilespmem:$0x18200] =	vst v63  }
0x11e: {  	v3 =	vld [tilespmem:$0x190];
	_ =	sdelay $0x4  }
0x11f: {  	v61 =	vshrl.u32 v3, $0x3  }
0x120: {  	v4 =	vmul.u32 $0x30, v61  }
0x121: {  	v3 =	vand.u32 $0x7, v3  }
0x122: {  	v3 =	vor.u32 v3, v4  }
0x123: {  	v4 =	vperm.xlane v3, v0;
	_ =	sdelay $0x1  }
0x124: {  	v4 =	vadd.s32 v1, v4;
	_ =	sdelay $0x3  }
0x125: {  	s14 =	simm.s32 $0xF200;
	v3 =	vperm.xlane v3, v2  }
0x126: {  	[tilespmem:s14], [sflag:$0x2] =	stream.indirect_vreg.gather [hbm4b:s3+s2], $0x80, v4, vm0, $0xb8;
	[tilespmem:$0x18200] =	vst v63  }
0x127: {  	v3 =	vadd.s32 v1, v3;
	s14 =	simm.s32 $0xFA00  }
0x128: {  	[tilespmem:s14], [sflag:$0x2] =	stream.indirect_vreg.gather [hbm4b:s5+s2], $0x80, v4, vm0, $0xb8;
	[tilespmem:$0x18200] =	vst v63  }
0x129: {  	s14 =	simm.s32 $0x10200  }
0x12a: {  	[tilespmem:s14], [sflag:$0x2] =	stream.indirect_vreg.gather [hbm4b:s6+s2], $0x80, v4, vm0, $0xb8;
	[tilespmem:$0x18200] =	vst v63  }
0x12b: {  	s14 =	simm.s32 $0x10A00  }
0x12c: {  	[tilespmem:s14], [sflag:$0x2] =	stream.indirect_vreg.gather [hbm4b:s3+s2], $0x80, v3, vm0, $0xb8;
	[tilespmem:$0x18200] =	vst v63  }
0x12d: {  	s14 =	simm.s32 $0x11200  }
0x12e: {  	[tilespmem:s14], [sflag:$0x2] =	stream.indirect_vreg.gather [hbm4b:s5+s2], $0x80, v3, vm0, $0xb8;
	[tilespmem:$0x18200] =	vst v63  }
0x12f: {  	s14 =	simm.s32 $0x11A00  }
0x130: {  	[tilespmem:s14], [sflag:$0x2] =	stream.indirect_vreg.gather [hbm4b:s6+s2], $0x80, v3, vm0, $0xb8;
	[tilespmem:$0x18200] =	vst v63  }
0x131: {  	v3 =	vld [tilespmem:$0x1A0];
	_ =	sdelay $0x4  }
0x132: {  	v62 =	vshrl.u32 v3, $0x3  }
0x133: {  	v4 =	vmul.u32 $0x30, v62  }
0x134: {  	v3 =	vand.u32 $0x7, v3  }
0x135: {  	v3 =	vor.u32 v3, v4  }
0x136: {  	v4 =	vperm.xlane v3, v0;
	_ =	sdelay $0x1  }
0x137: {  	v4 =	vadd.s32 v1, v4;
	_ =	sdelay $0x3  }
0x138: {  	s14 =	simm.s32 $0x12200;
	v3 =	vperm.xlane v3, v2  }
0x139: {  	[tilespmem:s14], [sflag:$0x2] =	stream.indirect_vreg.gather [hbm4b:s3+s2], $0x80, v4, vm0, $0xb8;
	[tilespmem:$0x18200] =	vst v63  }
0x13a: {  	v3 =	vadd.s32 v1, v3;
	s14 =	simm.s32 $0x12A00  }
0x13b: {  	[tilespmem:s14], [sflag:$0x2] =	stream.indirect_vreg.gather [hbm4b:s5+s2], $0x80, v4, vm0, $0xb8;
	[tilespmem:$0x18200] =	vst v63  }
0x13c: {  	s14 =	simm.s32 $0x13200  }
0x13d: {  	[tilespmem:s14], [sflag:$0x2] =	stream.indirect_vreg.gather [hbm4b:s6+s2], $0x80, v4, vm0, $0xb8;
	[tilespmem:$0x18200] =	vst v63  }
0x13e: {  	s14 =	simm.s32 $0x13A00  }
0x13f: {  	[tilespmem:s14], [sflag:$0x2] =	stream.indirect_vreg.gather [hbm4b:s3+s2], $0x80, v3, vm0, $0xb8;
	[tilespmem:$0x18200] =	vst v63  }
0x140: {  	s14 =	simm.s32 $0x14200  }
0x141: {  	[tilespmem:s14], [sflag:$0x2] =	stream.indirect_vreg.gather [hbm4b:s5+s2], $0x80, v3, vm0, $0xb8;
	[tilespmem:$0x18200] =	vst v63  }
0x142: {  	s14 =	simm.s32 $0x14A00  }
0x143: {  	[tilespmem:s14], [sflag:$0x2] =	stream.indirect_vreg.gather [hbm4b:s6+s2], $0x80, v3, vm0, $0xb8;
	[tilespmem:$0x18200] =	vst v63  }
0x144: {  	v3 =	vld [tilespmem:$0x1B0];
	_ =	sdelay $0x4  }
0x145: {  	v63 =	vshrl.u32 v3, $0x3  }
0x146: {  	v4 =	vmul.u32 $0x30, v63  }
0x147: {  	v3 =	vand.u32 $0x7, v3  }
0x148: {  	v3 =	vor.u32 v3, v4  }
0x149: {  	v4 =	vperm.xlane v3, v0;
	_ =	sdelay $0x1  }
0x14a: {  	v4 =	vadd.s32 v1, v4;
	_ =	sdelay $0x3  }
0x14b: {  	s14 =	simm.s32 $0x15200;
	v3 =	vperm.xlane v3, v2  }
0x14c: {  	[tilespmem:s14], [sflag:$0x2] =	stream.indirect_vreg.gather [hbm4b:s3+s2], $0x80, v4, vm0, $0xb8;
	[tilespmem:$0x18200] =	vst v63  }
0x14d: {  	v3 =	vadd.s32 v1, v3;
	s14 =	simm.s32 $0x15A00  }
0x14e: {  	[tilespmem:s14], [sflag:$0x2] =	stream.indirect_vreg.gather [hbm4b:s5+s2], $0x80, v4, vm0, $0xb8;
	[tilespmem:$0x18200] =	vst v63  }
0x14f: {  	s14 =	simm.s32 $0x16200  }
0x150: {  	[tilespmem:s14], [sflag:$0x2] =	stream.indirect_vreg.gather [hbm4b:s6+s2], $0x80, v4, vm0, $0xb8;
	[tilespmem:$0x18200] =	vst v63  }
0x151: {  	s14 =	simm.s32 $0x16A00  }
0x152: {  	[tilespmem:s14], [sflag:$0x2] =	stream.indirect_vreg.gather [hbm4b:s3+s2], $0x80, v3, vm0, $0xb8;
	[tilespmem:$0x18200] =	vst v63  }
0x153: {  	s14 =	simm.s32 $0x17200  }
0x154: {  	[tilespmem:s14], [sflag:$0x2] =	stream.indirect_vreg.gather [hbm4b:s5+s2], $0x80, v3, vm0, $0xb8;
	[tilespmem:$0x18200] =	vst v63  }
0x155: {  	s14 =	simm.s32 $0x17A00  }
0x156: {  	[tilespmem:s14], [sflag:$0x2] =	stream.indirect_vreg.gather [hbm4b:s6+s2], $0x80, v3, vm0, $0xb8;
	[tilespmem:$0x18200] =	vst v63  }
0x157: {  	_ =	swait.ge [sflag:s13], $0xC000  }
0x158: {  	[sflag:s13] =	ssyncset.done $0x0  }
0x159: {  	s7 =	simm.s32 $0x200;
	s14 =	rddreg [dreg:$0x5];
	[sflag:s13] =	ssyncadd.s32 $0xFFFF4000  }
0x15a: {  	[hbm4b:s14+s2] =	stream.linear.scatter [tilespmem:s7], [sflag:$0x3], $0xC000, $0x38;
	[tilespmem:$0x18200] =	vst v63  }
0x15b: {  	_ =	swait.ge [sflag:s0], $0xC000  }
0x15c: {  	[sflag:s0] =	ssyncset.done $0x0  }
0x15d: {  	[sflag:s0] =	ssyncadd.s32 $0xFFFF4000  }
0x15e: {  	_ =	swait.ge [sflag:s1], $0xC000  }
0x15f: {  	p0 =	sne.s32 s8, $0x1;
	[sflag:s1] =	ssyncset.done $0x0  }
.Ltmp0:
0x160: {  	s7 =	rddreg [dreg:$0x6];
	[sflag:s1] =	ssyncadd.s32 $0xFFFF4000;
	(pc) =	sbr.rel @p0 .LBB2_1-.Ltmp0, $4  }
0x161: {  	[hbm4b:s7+s2] =	stream.linear.scatter [tilespmem:s12], [sflag:$0x4], $0xC000, $0x38;
	[tilespmem:$0x18200] =	vst v63  }
0x162: {  	_ =	swait.ge [sflag:s4], $0xC000  }
0x163: {  	[sflag:s4] =	ssyncset.done $0x0  }
0x164: {  	s8 =	sadd.s32 $0xFFFFFFFF, s8;
	[sflag:s4] =	ssyncadd.s32 $0xFFFF4000  }
0x165: {  	_ =	sfence.sel $0x180000  }
0x166: {  	[bflag:$0x0] =	sbarrier.arrive $0xFFFF  }
0x167: {  	_ =	strace $0x9000004A  }
0x168: {  	s0 =	stileid.u32;
	[bflag:$0x2] =	sbarrier.arrive $0xFFFF  }
0x169: {  	p0 =	sne.s32 s0, $0x0;
	s0 =	rddreg [dreg:$0x2]  }
0x16a: {  	s0 =	sadd.s32 @!p0 $0x100000, s0  }
0x16b: {  	[sflag:s0] =	ssyncadd.tile.s32 @!p0 $0x1;
	_ =	shalt  }
.Lfunc_end2:
_tile_overlayer_lowered:
.L_overlay_start_2:
0x16c: {  	(tag) =	ssettag $0x2  }
0x16d: {  	s0 =	rddreg [dreg:$0x0];
	s2 =	stileid.u32  }
0x16e: {  	s1 =	rddreg [dreg:$0x1];
	p0 =	sne.s32 s2, $0x0  }
0x16f: {  	s3 =	rddreg [dreg:$0x2];
	[bflag:$0x3] =	sbarrier.arrive $0xFFFF;
	s2 =	simm.s32 @!p0 $0x1C05  }
0x170: {  	[timem:s3], [sflag:s2] =	dma.local @!p0 [hbm:s0], s1  }
0x171: {  	s0 =	simm.s32 @!p0 $0x5  }
0x172: {  	_ =	swait.ge @!p0 [sflag:s0], s1  }
0x173: {  	s1 =	ssub.s32 @!p0 $0x0, s1;
	[sflag:s0] =	ssyncset.done @!p0 $0x0  }
0x174: {  	[sflag:s0] =	ssyncadd.s32 @!p0 s1  }
0x175: {  	[bflag:$0x3] =	sbarrier.arrive $0xFFFF  }
0x176: {  	_ =	shalt  }

</sc_bundles>
